<compile_context>
chip_gen: v7x
topology: tpu7x:2x2x1
jax: 0.10.2.dev20260603
libtpu: 0.0.44.dev20260713+nightly
codegen_flags: <defaults>
</compile_context>

<pallas_src>
import functools

import jax
import jax.numpy as jnp
from jax import lax
from jax.experimental import pallas as pl
from jax.experimental.pallas import tpu as pltpu
from jax.experimental.pallas import tpu_sc as plsc

_SIZE = 131072
_B = 4096
_D_STATE = 256
_D_ACT = 8

_NC = 2
_NS = 16
_NW = _NC * _NS
_BPW = _B // _NW
_LANES = 16


@functools.partial(
    pl.kernel,
    out_type=(
        jax.ShapeDtypeStruct((_B, _D_STATE), jnp.float32),
        jax.ShapeDtypeStruct((_D_ACT, _B), jnp.float32),
        jax.ShapeDtypeStruct((_B,), jnp.float32),
        jax.ShapeDtypeStruct((_B, _D_STATE), jnp.float32),
        jax.ShapeDtypeStruct((_B,), jnp.float32),
        jax.ShapeDtypeStruct((_B,), jnp.float32),
    ),
    mesh=plsc.VectorSubcoreMesh(core_axis_name="c", subcore_axis_name="s"),
    scratch_types=[
        pltpu.VMEM((_BPW,), jnp.int32),
        pltpu.VMEM((_BPW, _D_STATE), jnp.float32),
        pltpu.VMEM((_D_ACT, _BPW), jnp.float32),
        pltpu.VMEM((_D_ACT * _BPW,), jnp.int32),
        pltpu.VMEM((_BPW,), jnp.float32),
        pltpu.VMEM((_BPW, _D_STATE), jnp.float32),
        pltpu.VMEM((_BPW,), jnp.float32),
        pltpu.VMEM((_BPW,), jnp.float32),
        pltpu.SemaphoreType.DMA,
        pltpu.SemaphoreType.DMA,
        pltpu.SemaphoreType.DMA,
        pltpu.SemaphoreType.DMA,
        pltpu.SemaphoreType.DMA,
        pltpu.SemaphoreType.DMA,
    ],
)
def _replay_gather(
    state_hbm, action_p_hbm, reward_hbm, next_state_hbm, done_hbm, log_pi_hbm,
    idx_hbm,
    out_state, out_action_t, out_reward, out_next_state, out_done, out_log_pi,
    idx_v, st_v, ac_v, idx8_v, rw_v, ns_v, dn_v, lp_v,
    sem_st, sem_ac, sem_rw, sem_ns, sem_dn, sem_lp,
):
    wid = lax.axis_index("s") * _NC + lax.axis_index("c")
    base = wid * _BPW

    pltpu.sync_copy(idx_hbm.at[pl.ds(base, _BPW)], idx_v)

    def _prep(g, carry):
        sl = pl.ds(g * _LANES, _LANES)
        vec = lax.bitwise_and(idx_v[sl], _SIZE - 1)
        idx_v[sl] = vec
        flatbase = lax.shift_left(lax.shift_right_logical(vec, 7), 10) | (
            vec & (_BPW - 1)
        )
        for k in range(_D_ACT):
            idx8_v[pl.ds(k * _BPW + g * _LANES, _LANES)] = flatbase + k * _BPW
        return carry

    lax.fori_loop(0, _BPW // _LANES, _prep, 0)

    c_st = pltpu.async_copy(state_hbm.at[idx_v], st_v, sem_st)
    c_ns = pltpu.async_copy(next_state_hbm.at[idx_v], ns_v, sem_ns)
    c_rw = pltpu.async_copy(reward_hbm.at[idx_v], rw_v, sem_rw)
    c_dn = pltpu.async_copy(done_hbm.at[idx_v], dn_v, sem_dn)
    c_lp = pltpu.async_copy(log_pi_hbm.at[idx_v], lp_v, sem_lp)

    ac_copies = [
        pltpu.async_copy(
            action_p_hbm.at[idx8_v.at[pl.ds(k * _BPW, _BPW)]],
            ac_v.at[k],
            sem_ac,
        )
        for k in range(_D_ACT)
    ]

    c_st.wait()
    w_st = pltpu.async_copy(st_v, out_state.at[pl.ds(base, _BPW)], sem_st)
    c_ns.wait()
    w_ns = pltpu.async_copy(ns_v, out_next_state.at[pl.ds(base, _BPW)], sem_ns)
    for c in ac_copies:
        c.wait()
    w_ac = pltpu.async_copy(ac_v, out_action_t.at[:, pl.ds(base, _BPW)], sem_ac)
    c_rw.wait()
    w_rw = pltpu.async_copy(rw_v, out_reward.at[pl.ds(base, _BPW)], sem_rw)
    c_dn.wait()
    w_dn = pltpu.async_copy(dn_v, out_done.at[pl.ds(base, _BPW)], sem_dn)
    c_lp.wait()
    w_lp = pltpu.async_copy(lp_v, out_log_pi.at[pl.ds(base, _BPW)], sem_lp)
    for w in (w_st, w_ns, w_ac, w_rw, w_dn, w_lp):
        w.wait()


def kernel(state, action, reward, next_state, done, log_pi, idx):
    out_state, out_action_t, out_reward, out_next_state, out_done, out_log_pi = (
        _replay_gather(
            state,
            action.T.reshape(_D_ACT, _SIZE // 128, 128)
            .transpose(1, 0, 2)
            .reshape(-1),
            reward, next_state, done, log_pi,
            idx.astype(jnp.int32),
        )
    )
    return (out_state, out_action_t.T, out_reward, out_next_state, out_done,
            out_log_pi)

# --- scband reference (transcript-rebuilt; emitter-appended) ---
"""Pipeline reference for scband-replay-buffer-75428215653247 (READ-ONLY COPY).

The authoritative reference and input builder live on the scoring server;
editing this copy changes nothing except your own understanding.
"""

import jax, jax.numpy as jnp
import numpy as np

SIZE = 131072
B = 4096
D_STATE = 256
D_ACT = 8


def setup_inputs(seed: int = 0) -> dict:
    key = jax.random.key(seed)
    ks = jax.random.split(key, 7)
    return {
        "state": jax.random.normal(ks[0], (SIZE, D_STATE), dtype=jnp.float32),
        "action": jax.random.normal(ks[1], (SIZE, D_ACT), dtype=jnp.float32),
        "reward": jax.random.normal(ks[2], (SIZE,), dtype=jnp.float32),
        "next_state": jax.random.normal(ks[3], (SIZE, D_STATE), dtype=jnp.float32),
        "done": jax.random.normal(ks[4], (SIZE,), dtype=jnp.float32),
        "log_pi": jax.random.normal(ks[5], (SIZE,), dtype=jnp.float32),
        "idx": jax.random.randint(ks[6], (B,), 0, SIZE),
    }


def reference(state, action, reward, next_state, done, log_pi, idx):
    # ReplayBuffer.forward(idx): each CircularTensor does data[idx % size]
    i = idx % SIZE
    out_state = jnp.take(state, i, axis=0)
    out_action = jnp.take(action, i, axis=0)
    out_reward = jnp.take(reward, i, axis=0)
    out_next_state = jnp.take(next_state, i, axis=0)
    out_done = jnp.take(done, i, axis=0)
    out_log_pi = jnp.take(log_pi, i, axis=0)
    # Trajectory(state, action, reward, next_state, done, log_pi, total_reward=nan)
    return (out_state, out_action, out_reward, out_next_state, out_done, out_log_pi)

if __name__ == "__main__":
    import jax
    _d = setup_inputs()
    print(jax.jit(kernel)(*tuple(_d.values())))

</pallas_src>

<mosaic_0001>
#map = affine_map<(d0, d1) -> (0, 0)>
#map1 = affine_map<(d0, d1) -> (0)>
module attributes {stable_mosaic.version = 14 : i64} {
  func.func @_replay_gather(%arg0: i32, %arg1: i32, %arg2: memref<131072x256xf32, #tpu.memory_space<hbm>>, %arg3: memref<1048576xf32, #tpu.memory_space<hbm>>, %arg4: memref<131072xf32, #tpu.memory_space<hbm>>, %arg5: memref<131072x256xf32, #tpu.memory_space<hbm>>, %arg6: memref<131072xf32, #tpu.memory_space<hbm>>, %arg7: memref<131072xf32, #tpu.memory_space<hbm>>, %arg8: memref<4096xi32, #tpu.memory_space<hbm>>, %arg9: memref<4096x256xf32, #tpu.memory_space<hbm>>, %arg10: memref<8x4096xf32, #tpu.memory_space<hbm>>, %arg11: memref<4096xf32, #tpu.memory_space<hbm>>, %arg12: memref<4096x256xf32, #tpu.memory_space<hbm>>, %arg13: memref<4096xf32, #tpu.memory_space<hbm>>, %arg14: memref<4096xf32, #tpu.memory_space<hbm>>, %arg15: memref<128xi32, #tpu.memory_space<vmem>>, %arg16: memref<128x256xf32, #tpu.memory_space<vmem>>, %arg17: memref<8x128xf32, #tpu.memory_space<vmem>>, %arg18: memref<1024xi32, #tpu.memory_space<vmem>>, %arg19: memref<128xf32, #tpu.memory_space<vmem>>, %arg20: memref<128x256xf32, #tpu.memory_space<vmem>>, %arg21: memref<128xf32, #tpu.memory_space<vmem>>, %arg22: memref<128xf32, #tpu.memory_space<vmem>>, %arg23: memref<!tpu.dma_semaphore, #tpu.memory_space<semaphore_mem>>, %arg24: memref<!tpu.dma_semaphore, #tpu.memory_space<semaphore_mem>>, %arg25: memref<!tpu.dma_semaphore, #tpu.memory_space<semaphore_mem>>, %arg26: memref<!tpu.dma_semaphore, #tpu.memory_space<semaphore_mem>>, %arg27: memref<!tpu.dma_semaphore, #tpu.memory_space<semaphore_mem>>, %arg28: memref<!tpu.dma_semaphore, #tpu.memory_space<semaphore_mem>>) attributes {dimension_semantics = [#tpu.dimension_semantics<core_parallel>, #tpu.dimension_semantics<subcore_parallel>], iteration_bounds = array<i64: 2, 16>, scalar_prefetch = 0 : i64, scratch_operands = 14 : i64, tpu.core_type = #tpu.core_type<sc_vector_subcore>, window_params = [{transform_indices = #map}, {transform_indices = #map1}, {transform_indices = #map1}, {transform_indices = #map}, {transform_indices = #map1}, {transform_indices = #map1}, {transform_indices = #map1}, {transform_indices = #map}, {transform_indices = #map}, {transform_indices = #map1}, {transform_indices = #map}, {transform_indices = #map1}, {transform_indices = #map1}]} {
    %mul3A = arith.constant 2 : i32
    %mul3A_0 = arith.muli %arg1, %mul3A : i32
    %add3A = arith.addi %mul3A_0, %arg0 : i32
    %mul3A_1 = arith.constant 128 : i32
    %mul3A_2 = arith.muli %add3A, %mul3A_1 : i32
    "tpu.region"() ({
      %run_scoped3A = tpu.sem_alloc : memref<!tpu.dma_semaphore, #tpu.memory_space<semaphore_mem>>
      %dma_start3A_194 = tpu.memref_slice %arg8[%mul3A_2] : memref<4096xi32, #tpu.memory_space<hbm>> -> memref<128xi32, #tpu.memory_space<hbm>>
      %dma_start3A_195 = tpu.memref_slice %arg8[%mul3A_2] : memref<4096xi32, #tpu.memory_space<hbm>> -> memref<128xi32, #tpu.memory_space<hbm>>
      tpu.enqueue_dma source(%dma_start3A_195 : memref<128xi32, #tpu.memory_space<hbm>>) target(%arg15 : memref<128xi32, #tpu.memory_space<vmem>>) target_semaphore(%run_scoped3A : memref<!tpu.dma_semaphore, #tpu.memory_space<semaphore_mem>>)
      %dma_wait3A_196 = tpu.memref_slice %arg8[%mul3A_2] : memref<4096xi32, #tpu.memory_space<hbm>> -> memref<128xi32, #tpu.memory_space<hbm>>
      %dma_wait3A_197 = tpu.memref_slice %arg8[%mul3A_2] : memref<4096xi32, #tpu.memory_space<hbm>> -> memref<128xi32, #tpu.memory_space<hbm>>
      tpu.wait_dma2 semaphore(%run_scoped3A : memref<!tpu.dma_semaphore, #tpu.memory_space<semaphore_mem>>) src(%dma_wait3A_197 : memref<128xi32, #tpu.memory_space<hbm>>) dst(%arg15 : memref<128xi32, #tpu.memory_space<vmem>>)
      tpu.yield
    }) : () -> ()
    %scan3A = arith.constant 0 : i32
    %scan3A_3 = arith.constant 0 : i32
    %scan3A_4 = arith.constant 8 : i32
    %scan3A_5 = arith.addi %scan3A_3, %scan3A_4 : i32
    %scan3A_6 = arith.constant 1 : i32
    scf.for %scan3A_194 = %scan3A_3 to %scan3A_5 step %scan3A_6  : i32 {
      %mul3A_195 = arith.constant 16 : i32
      %mul3A_196 = arith.muli %scan3A_194, %mul3A_195 : i32
      %get3A = arith.index_cast %mul3A_196 : i32 to index
      %get3A_197 = tpu.vector_load %arg15[%get3A] {strides = array<i32>} : memref<128xi32, #tpu.memory_space<vmem>>, vector<16xi32>,
      %get3A_198 = vector.shape_cast %get3A_197 : vector<16xi32> to vector<16xi32>
      %and3A = arith.constant 131071 : i32
      %and3A_199 = vector.broadcast %and3A : i32 to vector<16xi32>
      %and3A_200 = arith.andi %get3A_198, %and3A_199 : vector<16xi32>
      %swap3A = arith.index_cast %mul3A_196 : i32 to index
      %swap3A_201 = tpu.vector_load %arg15[%swap3A] {strides = array<i32>} : memref<128xi32, #tpu.memory_space<vmem>>, vector<16xi32>,
      %swap3A_202 = vector.shape_cast %swap3A_201 : vector<16xi32> to vector<16xi32>
      %swap3A_203 = vector.shape_cast %and3A_200 : vector<16xi32> to vector<16xi32>
      tpu.vector_store %arg15[%swap3A], %swap3A_203 {strides = array<i32>} : memref<128xi32, #tpu.memory_space<vmem>>, vector<16xi32>,
      %shift_right_logical3A = arith.constant 7 : i32
      %shift_right_logical3A_204 = vector.broadcast %shift_right_logical3A : i32 to vector<16xi32>
      %shift_right_logical3A_205 = arith.shrui %and3A_200, %shift_right_logical3A_204 : vector<16xi32>
      %shift_left3A = arith.constant 10 : i32
      %shift_left3A_206 = vector.broadcast %shift_left3A : i32 to vector<16xi32>
      %shift_left3A_207 = arith.shli %shift_right_logical3A_205, %shift_left3A_206 : vector<16xi32>
      %and3A_208 = arith.constant 127 : i32
      %and3A_209 = vector.broadcast %and3A_208 : i32 to vector<16xi32>
      %and3A_210 = arith.andi %and3A_200, %and3A_209 : vector<16xi32>
      %or3A = arith.ori %shift_left3A_207, %and3A_210 : vector<16xi32>
      %add3A_211 = arith.constant 0 : i32
      %add3A_212 = vector.broadcast %add3A_211 : i32 to vector<16xi32>
      %add3A_213 = arith.addi %or3A, %add3A_212 : vector<16xi32>
      %mul3A_214 = arith.constant 16 : i32
      %mul3A_215 = arith.muli %scan3A_194, %mul3A_214 : i32
      %add3A_216 = arith.constant 0 : i32
      %add3A_217 = arith.addi %add3A_216, %mul3A_215 : i32
      %swap3A_218 = arith.index_cast %add3A_217 : i32 to index
      %swap3A_219 = tpu.vector_load %arg18[%swap3A_218] {strides = array<i32>} : memref<1024xi32, #tpu.memory_space<vmem>>, vector<16xi32>,
      %swap3A_220 = vector.shape_cast %swap3A_219 : vector<16xi32> to vector<16xi32>
      %swap3A_221 = vector.shape_cast %add3A_213 : vector<16xi32> to vector<16xi32>
      tpu.vector_store %arg18[%swap3A_218], %swap3A_221 {strides = array<i32>} : memref<1024xi32, #tpu.memory_space<vmem>>, vector<16xi32>,
      %add3A_222 = arith.constant 128 : i32
      %add3A_223 = vector.broadcast %add3A_222 : i32 to vector<16xi32>
      %add3A_224 = arith.addi %or3A, %add3A_223 : vector<16xi32>
      %mul3A_225 = arith.constant 16 : i32
      %mul3A_226 = arith.muli %scan3A_194, %mul3A_225 : i32
      %add3A_227 = arith.constant 128 : i32
      %add3A_228 = arith.addi %add3A_227, %mul3A_226 : i32
      %swap3A_229 = arith.index_cast %add3A_228 : i32 to index
      %swap3A_230 = tpu.vector_load %arg18[%swap3A_229] {strides = array<i32>} : memref<1024xi32, #tpu.memory_space<vmem>>, vector<16xi32>,
      %swap3A_231 = vector.shape_cast %swap3A_230 : vector<16xi32> to vector<16xi32>
      %swap3A_232 = vector.shape_cast %add3A_224 : vector<16xi32> to vector<16xi32>
      tpu.vector_store %arg18[%swap3A_229], %swap3A_232 {strides = array<i32>} : memref<1024xi32, #tpu.memory_space<vmem>>, vector<16xi32>,
      %add3A_233 = arith.constant 256 : i32
      %add3A_234 = vector.broadcast %add3A_233 : i32 to vector<16xi32>
      %add3A_235 = arith.addi %or3A, %add3A_234 : vector<16xi32>
      %mul3A_236 = arith.constant 16 : i32
      %mul3A_237 = arith.muli %scan3A_194, %mul3A_236 : i32
      %add3A_238 = arith.constant 256 : i32
      %add3A_239 = arith.addi %add3A_238, %mul3A_237 : i32
      %swap3A_240 = arith.index_cast %add3A_239 : i32 to index
      %swap3A_241 = tpu.vector_load %arg18[%swap3A_240] {strides = array<i32>} : memref<1024xi32, #tpu.memory_space<vmem>>, vector<16xi32>,
      %swap3A_242 = vector.shape_cast %swap3A_241 : vector<16xi32> to vector<16xi32>
      %swap3A_243 = vector.shape_cast %add3A_235 : vector<16xi32> to vector<16xi32>
      tpu.vector_store %arg18[%swap3A_240], %swap3A_243 {strides = array<i32>} : memref<1024xi32, #tpu.memory_space<vmem>>, vector<16xi32>,
      %add3A_244 = arith.constant 384 : i32
      %add3A_245 = vector.broadcast %add3A_244 : i32 to vector<16xi32>
      %add3A_246 = arith.addi %or3A, %add3A_245 : vector<16xi32>
      %mul3A_247 = arith.constant 16 : i32
      %mul3A_248 = arith.muli %scan3A_194, %mul3A_247 : i32
      %add3A_249 = arith.constant 384 : i32
      %add3A_250 = arith.addi %add3A_249, %mul3A_248 : i32
      %swap3A_251 = arith.index_cast %add3A_250 : i32 to index
      %swap3A_252 = tpu.vector_load %arg18[%swap3A_251] {strides = array<i32>} : memref<1024xi32, #tpu.memory_space<vmem>>, vector<16xi32>,
      %swap3A_253 = vector.shape_cast %swap3A_252 : vector<16xi32> to vector<16xi32>
      %swap3A_254 = vector.shape_cast %add3A_246 : vector<16xi32> to vector<16xi32>
      tpu.vector_store %arg18[%swap3A_251], %swap3A_254 {strides = array<i32>} : memref<1024xi32, #tpu.memory_space<vmem>>, vector<16xi32>,
      %add3A_255 = arith.constant 512 : i32
      %add3A_256 = vector.broadcast %add3A_255 : i32 to vector<16xi32>
      %add3A_257 = arith.addi %or3A, %add3A_256 : vector<16xi32>
      %mul3A_258 = arith.constant 16 : i32
      %mul3A_259 = arith.muli %scan3A_194, %mul3A_258 : i32
      %add3A_260 = arith.constant 512 : i32
      %add3A_261 = arith.addi %add3A_260, %mul3A_259 : i32
      %swap3A_262 = arith.index_cast %add3A_261 : i32 to index
      %swap3A_263 = tpu.vector_load %arg18[%swap3A_262] {strides = array<i32>} : memref<1024xi32, #tpu.memory_space<vmem>>, vector<16xi32>,
      %swap3A_264 = vector.shape_cast %swap3A_263 : vector<16xi32> to vector<16xi32>
      %swap3A_265 = vector.shape_cast %add3A_257 : vector<16xi32> to vector<16xi32>
      tpu.vector_store %arg18[%swap3A_262], %swap3A_265 {strides = array<i32>} : memref<1024xi32, #tpu.memory_space<vmem>>, vector<16xi32>,
      %add3A_266 = arith.constant 640 : i32
      %add3A_267 = vector.broadcast %add3A_266 : i32 to vector<16xi32>
      %add3A_268 = arith.addi %or3A, %add3A_267 : vector<16xi32>
      %mul3A_269 = arith.constant 16 : i32
      %mul3A_270 = arith.muli %scan3A_194, %mul3A_269 : i32
      %add3A_271 = arith.constant 640 : i32
      %add3A_272 = arith.addi %add3A_271, %mul3A_270 : i32
      %swap3A_273 = arith.index_cast %add3A_272 : i32 to index
      %swap3A_274 = tpu.vector_load %arg18[%swap3A_273] {strides = array<i32>} : memref<1024xi32, #tpu.memory_space<vmem>>, vector<16xi32>,
      %swap3A_275 = vector.shape_cast %swap3A_274 : vector<16xi32> to vector<16xi32>
      %swap3A_276 = vector.shape_cast %add3A_268 : vector<16xi32> to vector<16xi32>
      tpu.vector_store %arg18[%swap3A_273], %swap3A_276 {strides = array<i32>} : memref<1024xi32, #tpu.memory_space<vmem>>, vector<16xi32>,
      %add3A_277 = arith.constant 768 : i32
      %add3A_278 = vector.broadcast %add3A_277 : i32 to vector<16xi32>
      %add3A_279 = arith.addi %or3A, %add3A_278 : vector<16xi32>
      %mul3A_280 = arith.constant 16 : i32
      %mul3A_281 = arith.muli %scan3A_194, %mul3A_280 : i32
      %add3A_282 = arith.constant 768 : i32
      %add3A_283 = arith.addi %add3A_282, %mul3A_281 : i32
      %swap3A_284 = arith.index_cast %add3A_283 : i32 to index
      %swap3A_285 = tpu.vector_load %arg18[%swap3A_284] {strides = array<i32>} : memref<1024xi32, #tpu.memory_space<vmem>>, vector<16xi32>,
      %swap3A_286 = vector.shape_cast %swap3A_285 : vector<16xi32> to vector<16xi32>
      %swap3A_287 = vector.shape_cast %add3A_279 : vector<16xi32> to vector<16xi32>
      tpu.vector_store %arg18[%swap3A_284], %swap3A_287 {strides = array<i32>} : memref<1024xi32, #tpu.memory_space<vmem>>, vector<16xi32>,
      %add3A_288 = arith.constant 896 : i32
      %add3A_289 = vector.broadcast %add3A_288 : i32 to vector<16xi32>
      %add3A_290 = arith.addi %or3A, %add3A_289 : vector<16xi32>
      %mul3A_291 = arith.constant 16 : i32
      %mul3A_292 = arith.muli %scan3A_194, %mul3A_291 : i32
      %add3A_293 = arith.constant 896 : i32
      %add3A_294 = arith.addi %add3A_293, %mul3A_292 : i32
      %swap3A_295 = arith.index_cast %add3A_294 : i32 to index
      %swap3A_296 = tpu.vector_load %arg18[%swap3A_295] {strides = array<i32>} : memref<1024xi32, #tpu.memory_space<vmem>>, vector<16xi32>,
      %swap3A_297 = vector.shape_cast %swap3A_296 : vector<16xi32> to vector<16xi32>
      %swap3A_298 = vector.shape_cast %add3A_290 : vector<16xi32> to vector<16xi32>
      tpu.vector_store %arg18[%swap3A_295], %swap3A_298 {strides = array<i32>} : memref<1024xi32, #tpu.memory_space<vmem>>, vector<16xi32>,
    }
    %scan3A_7 = arith.constant 8 : i32
    %dma_start3A = arith.constant 0 : i32
    %dma_start3A_8 = arith.constant 0 : i32
    %dma_start3A_9 = tpu.memref_slice %arg2[%dma_start3A, %dma_start3A_8] : memref<131072x256xf32, #tpu.memory_space<hbm>> -> memref<131072x256xf32, #tpu.memory_space<hbm>>
    tpu.enqueue_indirect_dma source(%dma_start3A_9 : memref<131072x256xf32, #tpu.memory_space<hbm>>) target(%arg16 : memref<128x256xf32, #tpu.memory_space<vmem>>) offsets(%arg15 : memref<128xi32, #tpu.memory_space<vmem>>) semaphore(%arg23 : memref<!tpu.dma_semaphore, #tpu.memory_space<semaphore_mem>>)
    %dma_start3A_10 = arith.constant 0 : i32
    %dma_start3A_11 = arith.constant 0 : i32
    %dma_start3A_12 = tpu.memref_slice %arg5[%dma_start3A_10, %dma_start3A_11] : memref<131072x256xf32, #tpu.memory_space<hbm>> -> memref<131072x256xf32, #tpu.memory_space<hbm>>
    tpu.enqueue_indirect_dma source(%dma_start3A_12 : memref<131072x256xf32, #tpu.memory_space<hbm>>) target(%arg20 : memref<128x256xf32, #tpu.memory_space<vmem>>) offsets(%arg15 : memref<128xi32, #tpu.memory_space<vmem>>) semaphore(%arg26 : memref<!tpu.dma_semaphore, #tpu.memory_space<semaphore_mem>>)
    %dma_start3A_13 = arith.constant 0 : i32
    %dma_start3A_14 = tpu.memref_slice %arg4[%dma_start3A_13] : memref<131072xf32, #tpu.memory_space<hbm>> -> memref<131072xf32, #tpu.memory_space<hbm>>
    tpu.enqueue_indirect_dma source(%dma_start3A_14 : memref<131072xf32, #tpu.memory_space<hbm>>) target(%arg19 : memref<128xf32, #tpu.memory_space<vmem>>) offsets(%arg15 : memref<128xi32, #tpu.memory_space<vmem>>) semaphore(%arg25 : memref<!tpu.dma_semaphore, #tpu.memory_space<semaphore_mem>>)
    %dma_start3A_15 = arith.constant 0 : i32
    %dma_start3A_16 = tpu.memref_slice %arg6[%dma_start3A_15] : memref<131072xf32, #tpu.memory_space<hbm>> -> memref<131072xf32, #tpu.memory_space<hbm>>
    tpu.enqueue_indirect_dma source(%dma_start3A_16 : memref<131072xf32, #tpu.memory_space<hbm>>) target(%arg21 : memref<128xf32, #tpu.memory_space<vmem>>) offsets(%arg15 : memref<128xi32, #tpu.memory_space<vmem>>) semaphore(%arg27 : memref<!tpu.dma_semaphore, #tpu.memory_space<semaphore_mem>>)
    %dma_start3A_17 = arith.constant 0 : i32
    %dma_start3A_18 = tpu.memref_slice %arg7[%dma_start3A_17] : memref<131072xf32, #tpu.memory_space<hbm>> -> memref<131072xf32, #tpu.memory_space<hbm>>
    tpu.enqueue_indirect_dma source(%dma_start3A_18 : memref<131072xf32, #tpu.memory_space<hbm>>) target(%arg22 : memref<128xf32, #tpu.memory_space<vmem>>) offsets(%arg15 : memref<128xi32, #tpu.memory_space<vmem>>) semaphore(%arg28 : memref<!tpu.dma_semaphore, #tpu.memory_space<semaphore_mem>>)
    %dma_start3A_19 = arith.constant 0 : i32
    %dma_start3A_20 = arith.constant 0 : i32
    %dma_start3A_21 = tpu.memref_slice %arg17[%dma_start3A_19, %dma_start3A_20] : memref<8x128xf32, #tpu.memory_space<vmem>> -> memref<1x128xf32, #tpu.memory_space<vmem>>
    %dma_start3A_22 = tpu.memref_squeeze %dma_start3A_21 : memref<1x128xf32, #tpu.memory_space<vmem>> -> memref<128xf32, #tpu.memory_space<vmem>>
    %dma_start3A_23 = arith.constant 0 : i32
    %dma_start3A_24 = tpu.memref_slice %arg18[%dma_start3A_23] : memref<1024xi32, #tpu.memory_space<vmem>> -> memref<128xi32, #tpu.memory_space<vmem>>
    %dma_start3A_25 = arith.constant 0 : i32
    %dma_start3A_26 = tpu.memref_slice %arg3[%dma_start3A_25] : memref<1048576xf32, #tpu.memory_space<hbm>> -> memref<1048576xf32, #tpu.memory_space<hbm>>
    tpu.enqueue_indirect_dma source(%dma_start3A_26 : memref<1048576xf32, #tpu.memory_space<hbm>>) target(%dma_start3A_22 : memref<128xf32, #tpu.memory_space<vmem>>) offsets(%dma_start3A_24 : memref<128xi32, #tpu.memory_space<vmem>>) semaphore(%arg24 : memref<!tpu.dma_semaphore, #tpu.memory_space<semaphore_mem>>)
    %dma_start3A_27 = arith.constant 1 : i32
    %dma_start3A_28 = arith.constant 0 : i32
    %dma_start3A_29 = tpu.memref_slice %arg17[%dma_start3A_27, %dma_start3A_28] : memref<8x128xf32, #tpu.memory_space<vmem>> -> memref<1x128xf32, #tpu.memory_space<vmem>>
    %dma_start3A_30 = tpu.memref_squeeze %dma_start3A_29 : memref<1x128xf32, #tpu.memory_space<vmem>> -> memref<128xf32, #tpu.memory_space<vmem>>
    %dma_start3A_31 = arith.constant 128 : i32
    %dma_start3A_32 = tpu.memref_slice %arg18[%dma_start3A_31] : memref<1024xi32, #tpu.memory_space<vmem>> -> memref<128xi32, #tpu.memory_space<vmem>>
    %dma_start3A_33 = arith.constant 0 : i32
    %dma_start3A_34 = tpu.memref_slice %arg3[%dma_start3A_33] : memref<1048576xf32, #tpu.memory_space<hbm>> -> memref<1048576xf32, #tpu.memory_space<hbm>>
    tpu.enqueue_indirect_dma source(%dma_start3A_34 : memref<1048576xf32, #tpu.memory_space<hbm>>) target(%dma_start3A_30 : memref<128xf32, #tpu.memory_space<vmem>>) offsets(%dma_start3A_32 : memref<128xi32, #tpu.memory_space<vmem>>) semaphore(%arg24 : memref<!tpu.dma_semaphore, #tpu.memory_space<semaphore_mem>>)
    %dma_start3A_35 = arith.constant 2 : i32
    %dma_start3A_36 = arith.constant 0 : i32
    %dma_start3A_37 = tpu.memref_slice %arg17[%dma_start3A_35, %dma_start3A_36] : memref<8x128xf32, #tpu.memory_space<vmem>> -> memref<1x128xf32, #tpu.memory_space<vmem>>
    %dma_start3A_38 = tpu.memref_squeeze %dma_start3A_37 : memref<1x128xf32, #tpu.memory_space<vmem>> -> memref<128xf32, #tpu.memory_space<vmem>>
    %dma_start3A_39 = arith.constant 256 : i32
    %dma_start3A_40 = tpu.memref_slice %arg18[%dma_start3A_39] : memref<1024xi32, #tpu.memory_space<vmem>> -> memref<128xi32, #tpu.memory_space<vmem>>
    %dma_start3A_41 = arith.constant 0 : i32
    %dma_start3A_42 = tpu.memref_slice %arg3[%dma_start3A_41] : memref<1048576xf32, #tpu.memory_space<hbm>> -> memref<1048576xf32, #tpu.memory_space<hbm>>
    tpu.enqueue_indirect_dma source(%dma_start3A_42 : memref<1048576xf32, #tpu.memory_space<hbm>>) target(%dma_start3A_38 : memref<128xf32, #tpu.memory_space<vmem>>) offsets(%dma_start3A_40 : memref<128xi32, #tpu.memory_space<vmem>>) semaphore(%arg24 : memref<!tpu.dma_semaphore, #tpu.memory_space<semaphore_mem>>)
    %dma_start3A_43 = arith.constant 3 : i32
    %dma_start3A_44 = arith.constant 0 : i32
    %dma_start3A_45 = tpu.memref_slice %arg17[%dma_start3A_43, %dma_start3A_44] : memref<8x128xf32, #tpu.memory_space<vmem>> -> memref<1x128xf32, #tpu.memory_space<vmem>>
    %dma_start3A_46 = tpu.memref_squeeze %dma_start3A_45 : memref<1x128xf32, #tpu.memory_space<vmem>> -> memref<128xf32, #tpu.memory_space<vmem>>
    %dma_start3A_47 = arith.constant 384 : i32
    %dma_start3A_48 = tpu.memref_slice %arg18[%dma_start3A_47] : memref<1024xi32, #tpu.memory_space<vmem>> -> memref<128xi32, #tpu.memory_space<vmem>>
    %dma_start3A_49 = arith.constant 0 : i32
    %dma_start3A_50 = tpu.memref_slice %arg3[%dma_start3A_49] : memref<1048576xf32, #tpu.memory_space<hbm>> -> memref<1048576xf32, #tpu.memory_space<hbm>>
    tpu.enqueue_indirect_dma source(%dma_start3A_50 : memref<1048576xf32, #tpu.memory_space<hbm>>) target(%dma_start3A_46 : memref<128xf32, #tpu.memory_space<vmem>>) offsets(%dma_start3A_48 : memref<128xi32, #tpu.memory_space<vmem>>) semaphore(%arg24 : memref<!tpu.dma_semaphore, #tpu.memory_space<semaphore_mem>>)
    %dma_start3A_51 = arith.constant 4 : i32
    %dma_start3A_52 = arith.constant 0 : i32
    %dma_start3A_53 = tpu.memref_slice %arg17[%dma_start3A_51, %dma_start3A_52] : memref<8x128xf32, #tpu.memory_space<vmem>> -> memref<1x128xf32, #tpu.memory_space<vmem>>
    %dma_start3A_54 = tpu.memref_squeeze %dma_start3A_53 : memref<1x128xf32, #tpu.memory_space<vmem>> -> memref<128xf32, #tpu.memory_space<vmem>>
    %dma_start3A_55 = arith.constant 512 : i32
    %dma_start3A_56 = tpu.memref_slice %arg18[%dma_start3A_55] : memref<1024xi32, #tpu.memory_space<vmem>> -> memref<128xi32, #tpu.memory_space<vmem>>
    %dma_start3A_57 = arith.constant 0 : i32
    %dma_start3A_58 = tpu.memref_slice %arg3[%dma_start3A_57] : memref<1048576xf32, #tpu.memory_space<hbm>> -> memref<1048576xf32, #tpu.memory_space<hbm>>
    tpu.enqueue_indirect_dma source(%dma_start3A_58 : memref<1048576xf32, #tpu.memory_space<hbm>>) target(%dma_start3A_54 : memref<128xf32, #tpu.memory_space<vmem>>) offsets(%dma_start3A_56 : memref<128xi32, #tpu.memory_space<vmem>>) semaphore(%arg24 : memref<!tpu.dma_semaphore, #tpu.memory_space<semaphore_mem>>)
    %dma_start3A_59 = arith.constant 5 : i32
    %dma_start3A_60 = arith.constant 0 : i32
    %dma_start3A_61 = tpu.memref_slice %arg17[%dma_start3A_59, %dma_start3A_60] : memref<8x128xf32, #tpu.memory_space<vmem>> -> memref<1x128xf32, #tpu.memory_space<vmem>>
    %dma_start3A_62 = tpu.memref_squeeze %dma_start3A_61 : memref<1x128xf32, #tpu.memory_space<vmem>> -> memref<128xf32, #tpu.memory_space<vmem>>
    %dma_start3A_63 = arith.constant 640 : i32
    %dma_start3A_64 = tpu.memref_slice %arg18[%dma_start3A_63] : memref<1024xi32, #tpu.memory_space<vmem>> -> memref<128xi32, #tpu.memory_space<vmem>>
    %dma_start3A_65 = arith.constant 0 : i32
    %dma_start3A_66 = tpu.memref_slice %arg3[%dma_start3A_65] : memref<1048576xf32, #tpu.memory_space<hbm>> -> memref<1048576xf32, #tpu.memory_space<hbm>>
    tpu.enqueue_indirect_dma source(%dma_start3A_66 : memref<1048576xf32, #tpu.memory_space<hbm>>) target(%dma_start3A_62 : memref<128xf32, #tpu.memory_space<vmem>>) offsets(%dma_start3A_64 : memref<128xi32, #tpu.memory_space<vmem>>) semaphore(%arg24 : memref<!tpu.dma_semaphore, #tpu.memory_space<semaphore_mem>>)
    %dma_start3A_67 = arith.constant 6 : i32
    %dma_start3A_68 = arith.constant 0 : i32
    %dma_start3A_69 = tpu.memref_slice %arg17[%dma_start3A_67, %dma_start3A_68] : memref<8x128xf32, #tpu.memory_space<vmem>> -> memref<1x128xf32, #tpu.memory_space<vmem>>
    %dma_start3A_70 = tpu.memref_squeeze %dma_start3A_69 : memref<1x128xf32, #tpu.memory_space<vmem>> -> memref<128xf32, #tpu.memory_space<vmem>>
    %dma_start3A_71 = arith.constant 768 : i32
    %dma_start3A_72 = tpu.memref_slice %arg18[%dma_start3A_71] : memref<1024xi32, #tpu.memory_space<vmem>> -> memref<128xi32, #tpu.memory_space<vmem>>
    %dma_start3A_73 = arith.constant 0 : i32
    %dma_start3A_74 = tpu.memref_slice %arg3[%dma_start3A_73] : memref<1048576xf32, #tpu.memory_space<hbm>> -> memref<1048576xf32, #tpu.memory_space<hbm>>
    tpu.enqueue_indirect_dma source(%dma_start3A_74 : memref<1048576xf32, #tpu.memory_space<hbm>>) target(%dma_start3A_70 : memref<128xf32, #tpu.memory_space<vmem>>) offsets(%dma_start3A_72 : memref<128xi32, #tpu.memory_space<vmem>>) semaphore(%arg24 : memref<!tpu.dma_semaphore, #tpu.memory_space<semaphore_mem>>)
    %dma_start3A_75 = arith.constant 7 : i32
    %dma_start3A_76 = arith.constant 0 : i32
    %dma_start3A_77 = tpu.memref_slice %arg17[%dma_start3A_75, %dma_start3A_76] : memref<8x128xf32, #tpu.memory_space<vmem>> -> memref<1x128xf32, #tpu.memory_space<vmem>>
    %dma_start3A_78 = tpu.memref_squeeze %dma_start3A_77 : memref<1x128xf32, #tpu.memory_space<vmem>> -> memref<128xf32, #tpu.memory_space<vmem>>
    %dma_start3A_79 = arith.constant 896 : i32
    %dma_start3A_80 = tpu.memref_slice %arg18[%dma_start3A_79] : memref<1024xi32, #tpu.memory_space<vmem>> -> memref<128xi32, #tpu.memory_space<vmem>>
    %dma_start3A_81 = arith.constant 0 : i32
    %dma_start3A_82 = tpu.memref_slice %arg3[%dma_start3A_81] : memref<1048576xf32, #tpu.memory_space<hbm>> -> memref<1048576xf32, #tpu.memory_space<hbm>>
    tpu.enqueue_indirect_dma source(%dma_start3A_82 : memref<1048576xf32, #tpu.memory_space<hbm>>) target(%dma_start3A_78 : memref<128xf32, #tpu.memory_space<vmem>>) offsets(%dma_start3A_80 : memref<128xi32, #tpu.memory_space<vmem>>) semaphore(%arg24 : memref<!tpu.dma_semaphore, #tpu.memory_space<semaphore_mem>>)
    %dma_wait3A = arith.constant 0 : i32
    %dma_wait3A_83 = arith.constant 0 : i32
    %dma_wait3A_84 = tpu.memref_slice %arg2[%dma_wait3A, %dma_wait3A_83] : memref<131072x256xf32, #tpu.memory_space<hbm>> -> memref<131072x256xf32, #tpu.memory_space<hbm>>
    tpu.wait_indirect_dma semaphore(%arg23 : memref<!tpu.dma_semaphore, #tpu.memory_space<semaphore_mem>>) src(%dma_wait3A_84 : memref<131072x256xf32, #tpu.memory_space<hbm>>) dst(%arg16 : memref<128x256xf32, #tpu.memory_space<vmem>>)
    %dma_start3A_85 = arith.constant 0 : i32
    %dma_start3A_86 = tpu.memref_slice %arg9[%mul3A_2, %dma_start3A_85] : memref<4096x256xf32, #tpu.memory_space<hbm>> -> memref<128x256xf32, #tpu.memory_space<hbm>>
    %dma_start3A_87 = arith.constant 0 : i32
    %dma_start3A_88 = tpu.memref_slice %arg9[%mul3A_2, %dma_start3A_87] : memref<4096x256xf32, #tpu.memory_space<hbm>> -> memref<128x256xf32, #tpu.memory_space<hbm>>
    tpu.enqueue_dma source(%arg16 : memref<128x256xf32, #tpu.memory_space<vmem>>) target(%dma_start3A_88 : memref<128x256xf32, #tpu.memory_space<hbm>>) target_semaphore(%arg23 : memref<!tpu.dma_semaphore, #tpu.memory_space<semaphore_mem>>)
    %dma_wait3A_89 = arith.constant 0 : i32
    %dma_wait3A_90 = arith.constant 0 : i32
    %dma_wait3A_91 = tpu.memref_slice %arg5[%dma_wait3A_89, %dma_wait3A_90] : memref<131072x256xf32, #tpu.memory_space<hbm>> -> memref<131072x256xf32, #tpu.memory_space<hbm>>
    tpu.wait_indirect_dma semaphore(%arg26 : memref<!tpu.dma_semaphore, #tpu.memory_space<semaphore_mem>>) src(%dma_wait3A_91 : memref<131072x256xf32, #tpu.memory_space<hbm>>) dst(%arg20 : memref<128x256xf32, #tpu.memory_space<vmem>>)
    %dma_start3A_92 = arith.constant 0 : i32
    %dma_start3A_93 = tpu.memref_slice %arg12[%mul3A_2, %dma_start3A_92] : memref<4096x256xf32, #tpu.memory_space<hbm>> -> memref<128x256xf32, #tpu.memory_space<hbm>>
    %dma_start3A_94 = arith.constant 0 : i32
    %dma_start3A_95 = tpu.memref_slice %arg12[%mul3A_2, %dma_start3A_94] : memref<4096x256xf32, #tpu.memory_space<hbm>> -> memref<128x256xf32, #tpu.memory_space<hbm>>
    tpu.enqueue_dma source(%arg20 : memref<128x256xf32, #tpu.memory_space<vmem>>) target(%dma_start3A_95 : memref<128x256xf32, #tpu.memory_space<hbm>>) target_semaphore(%arg26 : memref<!tpu.dma_semaphore, #tpu.memory_space<semaphore_mem>>)
    %dma_wait3A_96 = arith.constant 0 : i32
    %dma_wait3A_97 = arith.constant 0 : i32
    %dma_wait3A_98 = tpu.memref_slice %arg17[%dma_wait3A_96, %dma_wait3A_97] : memref<8x128xf32, #tpu.memory_space<vmem>> -> memref<1x128xf32, #tpu.memory_space<vmem>>
    %dma_wait3A_99 = tpu.memref_squeeze %dma_wait3A_98 : memref<1x128xf32, #tpu.memory_space<vmem>> -> memref<128xf32, #tpu.memory_space<vmem>>
    %dma_wait3A_100 = arith.constant 0 : i32
    %dma_wait3A_101 = tpu.memref_slice %arg18[%dma_wait3A_100] : memref<1024xi32, #tpu.memory_space<vmem>> -> memref<128xi32, #tpu.memory_space<vmem>>
    %dma_wait3A_102 = arith.constant 0 : i32
    %dma_wait3A_103 = tpu.memref_slice %arg3[%dma_wait3A_102] : memref<1048576xf32, #tpu.memory_space<hbm>> -> memref<1048576xf32, #tpu.memory_space<hbm>>
    tpu.wait_indirect_dma semaphore(%arg24 : memref<!tpu.dma_semaphore, #tpu.memory_space<semaphore_mem>>) src(%dma_wait3A_103 : memref<1048576xf32, #tpu.memory_space<hbm>>) dst(%dma_wait3A_99 : memref<128xf32, #tpu.memory_space<vmem>>)
    %dma_wait3A_104 = arith.constant 1 : i32
    %dma_wait3A_105 = arith.constant 0 : i32
    %dma_wait3A_106 = tpu.memref_slice %arg17[%dma_wait3A_104, %dma_wait3A_105] : memref<8x128xf32, #tpu.memory_space<vmem>> -> memref<1x128xf32, #tpu.memory_space<vmem>>
    %dma_wait3A_107 = tpu.memref_squeeze %dma_wait3A_106 : memref<1x128xf32, #tpu.memory_space<vmem>> -> memref<128xf32, #tpu.memory_space<vmem>>
    %dma_wait3A_108 = arith.constant 128 : i32
    %dma_wait3A_109 = tpu.memref_slice %arg18[%dma_wait3A_108] : memref<1024xi32, #tpu.memory_space<vmem>> -> memref<128xi32, #tpu.memory_space<vmem>>
    %dma_wait3A_110 = arith.constant 0 : i32
    %dma_wait3A_111 = tpu.memref_slice %arg3[%dma_wait3A_110] : memref<1048576xf32, #tpu.memory_space<hbm>> -> memref<1048576xf32, #tpu.memory_space<hbm>>
    tpu.wait_indirect_dma semaphore(%arg24 : memref<!tpu.dma_semaphore, #tpu.memory_space<semaphore_mem>>) src(%dma_wait3A_111 : memref<1048576xf32, #tpu.memory_space<hbm>>) dst(%dma_wait3A_107 : memref<128xf32, #tpu.memory_space<vmem>>)
    %dma_wait3A_112 = arith.constant 2 : i32
    %dma_wait3A_113 = arith.constant 0 : i32
    %dma_wait3A_114 = tpu.memref_slice %arg17[%dma_wait3A_112, %dma_wait3A_113] : memref<8x128xf32, #tpu.memory_space<vmem>> -> memref<1x128xf32, #tpu.memory_space<vmem>>
    %dma_wait3A_115 = tpu.memref_squeeze %dma_wait3A_114 : memref<1x128xf32, #tpu.memory_space<vmem>> -> memref<128xf32, #tpu.memory_space<vmem>>
    %dma_wait3A_116 = arith.constant 256 : i32
    %dma_wait3A_117 = tpu.memref_slice %arg18[%dma_wait3A_116] : memref<1024xi32, #tpu.memory_space<vmem>> -> memref<128xi32, #tpu.memory_space<vmem>>
    %dma_wait3A_118 = arith.constant 0 : i32
    %dma_wait3A_119 = tpu.memref_slice %arg3[%dma_wait3A_118] : memref<1048576xf32, #tpu.memory_space<hbm>> -> memref<1048576xf32, #tpu.memory_space<hbm>>
    tpu.wait_indirect_dma semaphore(%arg24 : memref<!tpu.dma_semaphore, #tpu.memory_space<semaphore_mem>>) src(%dma_wait3A_119 : memref<1048576xf32, #tpu.memory_space<hbm>>) dst(%dma_wait3A_115 : memref<128xf32, #tpu.memory_space<vmem>>)
    %dma_wait3A_120 = arith.constant 3 : i32
    %dma_wait3A_121 = arith.constant 0 : i32
    %dma_wait3A_122 = tpu.memref_slice %arg17[%dma_wait3A_120, %dma_wait3A_121] : memref<8x128xf32, #tpu.memory_space<vmem>> -> memref<1x128xf32, #tpu.memory_space<vmem>>
    %dma_wait3A_123 = tpu.memref_squeeze %dma_wait3A_122 : memref<1x128xf32, #tpu.memory_space<vmem>> -> memref<128xf32, #tpu.memory_space<vmem>>
    %dma_wait3A_124 = arith.constant 384 : i32
    %dma_wait3A_125 = tpu.memref_slice %arg18[%dma_wait3A_124] : memref<1024xi32, #tpu.memory_space<vmem>> -> memref<128xi32, #tpu.memory_space<vmem>>
    %dma_wait3A_126 = arith.constant 0 : i32
    %dma_wait3A_127 = tpu.memref_slice %arg3[%dma_wait3A_126] : memref<1048576xf32, #tpu.memory_space<hbm>> -> memref<1048576xf32, #tpu.memory_space<hbm>>
    tpu.wait_indirect_dma semaphore(%arg24 : memref<!tpu.dma_semaphore, #tpu.memory_space<semaphore_mem>>) src(%dma_wait3A_127 : memref<1048576xf32, #tpu.memory_space<hbm>>) dst(%dma_wait3A_123 : memref<128xf32, #tpu.memory_space<vmem>>)
    %dma_wait3A_128 = arith.constant 4 : i32
    %dma_wait3A_129 = arith.constant 0 : i32
    %dma_wait3A_130 = tpu.memref_slice %arg17[%dma_wait3A_128, %dma_wait3A_129] : memref<8x128xf32, #tpu.memory_space<vmem>> -> memref<1x128xf32, #tpu.memory_space<vmem>>
    %dma_wait3A_131 = tpu.memref_squeeze %dma_wait3A_130 : memref<1x128xf32, #tpu.memory_space<vmem>> -> memref<128xf32, #tpu.memory_space<vmem>>
    %dma_wait3A_132 = arith.constant 512 : i32
    %dma_wait3A_133 = tpu.memref_slice %arg18[%dma_wait3A_132] : memref<1024xi32, #tpu.memory_space<vmem>> -> memref<128xi32, #tpu.memory_space<vmem>>
    %dma_wait3A_134 = arith.constant 0 : i32
    %dma_wait3A_135 = tpu.memref_slice %arg3[%dma_wait3A_134] : memref<1048576xf32, #tpu.memory_space<hbm>> -> memref<1048576xf32, #tpu.memory_space<hbm>>
    tpu.wait_indirect_dma semaphore(%arg24 : memref<!tpu.dma_semaphore, #tpu.memory_space<semaphore_mem>>) src(%dma_wait3A_135 : memref<1048576xf32, #tpu.memory_space<hbm>>) dst(%dma_wait3A_131 : memref<128xf32, #tpu.memory_space<vmem>>)
    %dma_wait3A_136 = arith.constant 5 : i32
    %dma_wait3A_137 = arith.constant 0 : i32
    %dma_wait3A_138 = tpu.memref_slice %arg17[%dma_wait3A_136, %dma_wait3A_137] : memref<8x128xf32, #tpu.memory_space<vmem>> -> memref<1x128xf32, #tpu.memory_space<vmem>>
    %dma_wait3A_139 = tpu.memref_squeeze %dma_wait3A_138 : memref<1x128xf32, #tpu.memory_space<vmem>> -> memref<128xf32, #tpu.memory_space<vmem>>
    %dma_wait3A_140 = arith.constant 640 : i32
    %dma_wait3A_141 = tpu.memref_slice %arg18[%dma_wait3A_140] : memref<1024xi32, #tpu.memory_space<vmem>> -> memref<128xi32, #tpu.memory_space<vmem>>
    %dma_wait3A_142 = arith.constant 0 : i32
    %dma_wait3A_143 = tpu.memref_slice %arg3[%dma_wait3A_142] : memref<1048576xf32, #tpu.memory_space<hbm>> -> memref<1048576xf32, #tpu.memory_space<hbm>>
    tpu.wait_indirect_dma semaphore(%arg24 : memref<!tpu.dma_semaphore, #tpu.memory_space<semaphore_mem>>) src(%dma_wait3A_143 : memref<1048576xf32, #tpu.memory_space<hbm>>) dst(%dma_wait3A_139 : memref<128xf32, #tpu.memory_space<vmem>>)
    %dma_wait3A_144 = arith.constant 6 : i32
    %dma_wait3A_145 = arith.constant 0 : i32
    %dma_wait3A_146 = tpu.memref_slice %arg17[%dma_wait3A_144, %dma_wait3A_145] : memref<8x128xf32, #tpu.memory_space<vmem>> -> memref<1x128xf32, #tpu.memory_space<vmem>>
    %dma_wait3A_147 = tpu.memref_squeeze %dma_wait3A_146 : memref<1x128xf32, #tpu.memory_space<vmem>> -> memref<128xf32, #tpu.memory_space<vmem>>
    %dma_wait3A_148 = arith.constant 768 : i32
    %dma_wait3A_149 = tpu.memref_slice %arg18[%dma_wait3A_148] : memref<1024xi32, #tpu.memory_space<vmem>> -> memref<128xi32, #tpu.memory_space<vmem>>
    %dma_wait3A_150 = arith.constant 0 : i32
    %dma_wait3A_151 = tpu.memref_slice %arg3[%dma_wait3A_150] : memref<1048576xf32, #tpu.memory_space<hbm>> -> memref<1048576xf32, #tpu.memory_space<hbm>>
    tpu.wait_indirect_dma semaphore(%arg24 : memref<!tpu.dma_semaphore, #tpu.memory_space<semaphore_mem>>) src(%dma_wait3A_151 : memref<1048576xf32, #tpu.memory_space<hbm>>) dst(%dma_wait3A_147 : memref<128xf32, #tpu.memory_space<vmem>>)
    %dma_wait3A_152 = arith.constant 7 : i32
    %dma_wait3A_153 = arith.constant 0 : i32
    %dma_wait3A_154 = tpu.memref_slice %arg17[%dma_wait3A_152, %dma_wait3A_153] : memref<8x128xf32, #tpu.memory_space<vmem>> -> memref<1x128xf32, #tpu.memory_space<vmem>>
    %dma_wait3A_155 = tpu.memref_squeeze %dma_wait3A_154 : memref<1x128xf32, #tpu.memory_space<vmem>> -> memref<128xf32, #tpu.memory_space<vmem>>
    %dma_wait3A_156 = arith.constant 896 : i32
    %dma_wait3A_157 = tpu.memref_slice %arg18[%dma_wait3A_156] : memref<1024xi32, #tpu.memory_space<vmem>> -> memref<128xi32, #tpu.memory_space<vmem>>
    %dma_wait3A_158 = arith.constant 0 : i32
    %dma_wait3A_159 = tpu.memref_slice %arg3[%dma_wait3A_158] : memref<1048576xf32, #tpu.memory_space<hbm>> -> memref<1048576xf32, #tpu.memory_space<hbm>>
    tpu.wait_indirect_dma semaphore(%arg24 : memref<!tpu.dma_semaphore, #tpu.memory_space<semaphore_mem>>) src(%dma_wait3A_159 : memref<1048576xf32, #tpu.memory_space<hbm>>) dst(%dma_wait3A_155 : memref<128xf32, #tpu.memory_space<vmem>>)
    %dma_start3A_160 = arith.constant 0 : i32
    %dma_start3A_161 = tpu.memref_slice %arg10[%dma_start3A_160, %mul3A_2] : memref<8x4096xf32, #tpu.memory_space<hbm>> -> memref<8x128xf32, #tpu.memory_space<hbm>>
    %dma_start3A_162 = arith.constant 0 : i32
    %dma_start3A_163 = tpu.memref_slice %arg10[%dma_start3A_162, %mul3A_2] : memref<8x4096xf32, #tpu.memory_space<hbm>> -> memref<8x128xf32, #tpu.memory_space<hbm>>
    tpu.enqueue_dma source(%arg17 : memref<8x128xf32, #tpu.memory_space<vmem>>) target(%dma_start3A_163 : memref<8x128xf32, #tpu.memory_space<hbm>>) target_semaphore(%arg24 : memref<!tpu.dma_semaphore, #tpu.memory_space<semaphore_mem>>)
    %dma_wait3A_164 = arith.constant 0 : i32
    %dma_wait3A_165 = tpu.memref_slice %arg4[%dma_wait3A_164] : memref<131072xf32, #tpu.memory_space<hbm>> -> memref<131072xf32, #tpu.memory_space<hbm>>
    tpu.wait_indirect_dma semaphore(%arg25 : memref<!tpu.dma_semaphore, #tpu.memory_space<semaphore_mem>>) src(%dma_wait3A_165 : memref<131072xf32, #tpu.memory_space<hbm>>) dst(%arg19 : memref<128xf32, #tpu.memory_space<vmem>>)
    %dma_start3A_166 = tpu.memref_slice %arg11[%mul3A_2] : memref<4096xf32, #tpu.memory_space<hbm>> -> memref<128xf32, #tpu.memory_space<hbm>>
    %dma_start3A_167 = tpu.memref_slice %arg11[%mul3A_2] : memref<4096xf32, #tpu.memory_space<hbm>> -> memref<128xf32, #tpu.memory_space<hbm>>
    tpu.enqueue_dma source(%arg19 : memref<128xf32, #tpu.memory_space<vmem>>) target(%dma_start3A_167 : memref<128xf32, #tpu.memory_space<hbm>>) target_semaphore(%arg25 : memref<!tpu.dma_semaphore, #tpu.memory_space<semaphore_mem>>)
    %dma_wait3A_168 = arith.constant 0 : i32
    %dma_wait3A_169 = tpu.memref_slice %arg6[%dma_wait3A_168] : memref<131072xf32, #tpu.memory_space<hbm>> -> memref<131072xf32, #tpu.memory_space<hbm>>
    tpu.wait_indirect_dma semaphore(%arg27 : memref<!tpu.dma_semaphore, #tpu.memory_space<semaphore_mem>>) src(%dma_wait3A_169 : memref<131072xf32, #tpu.memory_space<hbm>>) dst(%arg21 : memref<128xf32, #tpu.memory_space<vmem>>)
    %dma_start3A_170 = tpu.memref_slice %arg13[%mul3A_2] : memref<4096xf32, #tpu.memory_space<hbm>> -> memref<128xf32, #tpu.memory_space<hbm>>
    %dma_start3A_171 = tpu.memref_slice %arg13[%mul3A_2] : memref<4096xf32, #tpu.memory_space<hbm>> -> memref<128xf32, #tpu.memory_space<hbm>>
    tpu.enqueue_dma source(%arg21 : memref<128xf32, #tpu.memory_space<vmem>>) target(%dma_start3A_171 : memref<128xf32, #tpu.memory_space<hbm>>) target_semaphore(%arg27 : memref<!tpu.dma_semaphore, #tpu.memory_space<semaphore_mem>>)
    %dma_wait3A_172 = arith.constant 0 : i32
    %dma_wait3A_173 = tpu.memref_slice %arg7[%dma_wait3A_172] : memref<131072xf32, #tpu.memory_space<hbm>> -> memref<131072xf32, #tpu.memory_space<hbm>>
    tpu.wait_indirect_dma semaphore(%arg28 : memref<!tpu.dma_semaphore, #tpu.memory_space<semaphore_mem>>) src(%dma_wait3A_173 : memref<131072xf32, #tpu.memory_space<hbm>>) dst(%arg22 : memref<128xf32, #tpu.memory_space<vmem>>)
    %dma_start3A_174 = tpu.memref_slice %arg14[%mul3A_2] : memref<4096xf32, #tpu.memory_space<hbm>> -> memref<128xf32, #tpu.memory_space<hbm>>
    %dma_start3A_175 = tpu.memref_slice %arg14[%mul3A_2] : memref<4096xf32, #tpu.memory_space<hbm>> -> memref<128xf32, #tpu.memory_space<hbm>>
    tpu.enqueue_dma source(%arg22 : memref<128xf32, #tpu.memory_space<vmem>>) target(%dma_start3A_175 : memref<128xf32, #tpu.memory_space<hbm>>) target_semaphore(%arg28 : memref<!tpu.dma_semaphore, #tpu.memory_space<semaphore_mem>>)
    %dma_wait3A_176 = arith.constant 0 : i32
    %dma_wait3A_177 = tpu.memref_slice %arg9[%mul3A_2, %dma_wait3A_176] : memref<4096x256xf32, #tpu.memory_space<hbm>> -> memref<128x256xf32, #tpu.memory_space<hbm>>
    %dma_wait3A_178 = arith.constant 0 : i32
    %dma_wait3A_179 = tpu.memref_slice %arg9[%mul3A_2, %dma_wait3A_178] : memref<4096x256xf32, #tpu.memory_space<hbm>> -> memref<128x256xf32, #tpu.memory_space<hbm>>
    tpu.wait_dma2 semaphore(%arg23 : memref<!tpu.dma_semaphore, #tpu.memory_space<semaphore_mem>>) src(%arg16 : memref<128x256xf32, #tpu.memory_space<vmem>>) dst(%dma_wait3A_179 : memref<128x256xf32, #tpu.memory_space<hbm>>)
    %dma_wait3A_180 = arith.constant 0 : i32
    %dma_wait3A_181 = tpu.memref_slice %arg12[%mul3A_2, %dma_wait3A_180] : memref<4096x256xf32, #tpu.memory_space<hbm>> -> memref<128x256xf32, #tpu.memory_space<hbm>>
    %dma_wait3A_182 = arith.constant 0 : i32
    %dma_wait3A_183 = tpu.memref_slice %arg12[%mul3A_2, %dma_wait3A_182] : memref<4096x256xf32, #tpu.memory_space<hbm>> -> memref<128x256xf32, #tpu.memory_space<hbm>>
    tpu.wait_dma2 semaphore(%arg26 : memref<!tpu.dma_semaphore, #tpu.memory_space<semaphore_mem>>) src(%arg20 : memref<128x256xf32, #tpu.memory_space<vmem>>) dst(%dma_wait3A_183 : memref<128x256xf32, #tpu.memory_space<hbm>>)
    %dma_wait3A_184 = arith.constant 0 : i32
    %dma_wait3A_185 = tpu.memref_slice %arg10[%dma_wait3A_184, %mul3A_2] : memref<8x4096xf32, #tpu.memory_space<hbm>> -> memref<8x128xf32, #tpu.memory_space<hbm>>
    %dma_wait3A_186 = arith.constant 0 : i32
    %dma_wait3A_187 = tpu.memref_slice %arg10[%dma_wait3A_186, %mul3A_2] : memref<8x4096xf32, #tpu.memory_space<hbm>> -> memref<8x128xf32, #tpu.memory_space<hbm>>
    tpu.wait_dma2 semaphore(%arg24 : memref<!tpu.dma_semaphore, #tpu.memory_space<semaphore_mem>>) src(%arg17 : memref<8x128xf32, #tpu.memory_space<vmem>>) dst(%dma_wait3A_187 : memref<8x128xf32, #tpu.memory_space<hbm>>)
    %dma_wait3A_188 = tpu.memref_slice %arg11[%mul3A_2] : memref<4096xf32, #tpu.memory_space<hbm>> -> memref<128xf32, #tpu.memory_space<hbm>>
    %dma_wait3A_189 = tpu.memref_slice %arg11[%mul3A_2] : memref<4096xf32, #tpu.memory_space<hbm>> -> memref<128xf32, #tpu.memory_space<hbm>>
    tpu.wait_dma2 semaphore(%arg25 : memref<!tpu.dma_semaphore, #tpu.memory_space<semaphore_mem>>) src(%arg19 : memref<128xf32, #tpu.memory_space<vmem>>) dst(%dma_wait3A_189 : memref<128xf32, #tpu.memory_space<hbm>>)
    %dma_wait3A_190 = tpu.memref_slice %arg13[%mul3A_2] : memref<4096xf32, #tpu.memory_space<hbm>> -> memref<128xf32, #tpu.memory_space<hbm>>
    %dma_wait3A_191 = tpu.memref_slice %arg13[%mul3A_2] : memref<4096xf32, #tpu.memory_space<hbm>> -> memref<128xf32, #tpu.memory_space<hbm>>
    tpu.wait_dma2 semaphore(%arg27 : memref<!tpu.dma_semaphore, #tpu.memory_space<semaphore_mem>>) src(%arg21 : memref<128xf32, #tpu.memory_space<vmem>>) dst(%dma_wait3A_191 : memref<128xf32, #tpu.memory_space<hbm>>)
    %dma_wait3A_192 = tpu.memref_slice %arg14[%mul3A_2] : memref<4096xf32, #tpu.memory_space<hbm>> -> memref<128xf32, #tpu.memory_space<hbm>>
    %dma_wait3A_193 = tpu.memref_slice %arg14[%mul3A_2] : memref<4096xf32, #tpu.memory_space<hbm>> -> memref<128xf32, #tpu.memory_space<hbm>>
    tpu.wait_dma2 semaphore(%arg28 : memref<!tpu.dma_semaphore, #tpu.memory_space<semaphore_mem>>) src(%arg22 : memref<128xf32, #tpu.memory_space<vmem>>) dst(%dma_wait3A_193 : memref<128xf32, #tpu.memory_space<hbm>>)
    return
  }
}

</mosaic_0001>

<sc_bundles>
// kernel: kernel.3.cloned.1.call-start
scs
__scs_entry_jumppad:
0x0: {  	(pc) =	sbr.rel $0x88, $3  }
0x1: {  	(tag) =	ssettag $0x0;
	lr =	simm.s32 $0x1  }
0x2: {  	[smem:$0x3F9A] =	sst lr;
	_ =	strace $0xD0000000  }
0x3: {  	_ = 	snop  }
0x4: {  	_ = 	snop  }
0x5: {  	_ = 	snop  }
0x6: {  	_ = 	snop  }
0x7: {  	_ = 	snop  }
__scs_overlays_trampoline_lowered:
0x8: {  	[smem:$0x3FA9] =	sst s0  }
0x9: {  	[smem:$0x3FAA] =	sst s1  }
0xa: {  	[smem:$0x3FAB] =	sst s2  }
0xb: {  	[smem:$0x3FAC] =	sst s3  }
0xc: {  	[smem:$0x3FAD] =	sst s4  }
0xd: {  	[smem:$0x3FAE] =	sst s5  }
0xe: {  	[smem:$0x3FAF] =	sst s6  }
0xf: {  	[smem:$0x3FB0] =	sst s7  }
0x10: {  	[smem:$0x3FB1] =	sst s8  }
0x11: {  	[smem:$0x3FB2] =	sst s9;
	s0 =	simm.s32 @!p0 $0x0  }
0x12: {  	s1 =	sld [smem:$0x3F98];
	s0 =	simm.s32 @p0 $0x1  }
0x13: {  	[smem:$0x3FB3] =	sst s0;
	s0 =	simm.s32 @!p1 $0x0  }
0x14: {  	s2 =	sld [smem:$0x3F97];
	s0 =	simm.s32 @p1 $0x1  }
0x15: {  	[smem:$0x3FB4] =	sst s0;
	s0 =	simm.s32 @!p2 $0x0  }
0x16: {  	s3 =	sld [smem:$0x3FDB];
	s0 =	simm.s32 @p2 $0x1  }
0x17: {  	s4 =	simm.s32 $0x1BF5;
	[smem:$0x3FB6] =	sst s0  }
0x18: {  	s0 =	sld [smem:$0x3F99];
	_ =	swait.ge [sflag:s4], $0x0  }
0x19: {  	s7 =	sld [smem:$0x3F9A]  }
0x1a: {  	s8 =	sadd.s32 $0xFFFFE003, lr  }
0x1b: {  	s9 =	sadd.s32 $0xFFFFFEF7, lr;
	s5 =	simm.s32 $0xFFFFFFFF;
	p2 =	slt.u32 s8, $0xFFFFF086  }
0x1c: {  	p1 =	slt.u32 s9, $0xF7A;
	s5 =	simm.s32 @!p2 $0x0  }
0x1d: {  	s5 =	simm.s32 @p1 $0x1;
	p0 =	seq.s32 s7, s2  }
0x1e: {  	s7 =	smul.u32 @!p0 $0xF7A, s2;
	p2 =	seq.s32 @!p0 s5, $0x0  }
0x1f: {  	s9 =	smul.u32 $0xF7A, s1;
	s8 =	simm.s32 @!p0 $0x1BF5;
	p2 =	por !p2, p0  }
0x20: {  	[sflag:s8] =	ssyncset.s32 @!p0 $0xFFFFF086;
	s6 =	sadd.s32 @!p0 s3, s7;
	s7 =	simm.s32 @!p0 $0x108  }
0x21: {  	s3 =	sadd.s32 s3, s9;
	s6 =	sadd.s32 @!p0 $0x88, s6;
	s7 =	simm.s32 @p2 $0x1082  }
0x22: {  	[simem:s7], [sflag:s8] =	dma.local @!p0 [hbm:s6], $0xF7A  }
0x23: {  	s9 =	sor.u32 $0xD0000000, s2;
	s6 =	simm.s32 $0x108;
	_ =	swait.ge @!p0 [sflag:s8], $0x0  }
0x24: {  	s3 =	sadd.s32 $0x88, s3;
	s6 =	simm.s32 @!p1 $0x1082;
	[sflag:s4] =	ssyncset.s32 $0xFFFFF086  }
0x25: {  	[simem:s6], [sflag:s4] =	dma.local [hbm:s3], $0xF7A  }
0x26: {  	[smem:$0x3F9A] =	sst s1;
	(tag) =	ssettag s2;
	_ =	strace s9  }
0x27: {  	s1 =	sld [smem:$0x3FAA]  }
0x28: {  	s2 =	sld [smem:$0x3FAB]  }
0x29: {  	s4 =	sld [smem:$0x3FAD]  }
0x2a: {  	p0 =	seq.s32 s5, $0x0;
	s5 =	sld [smem:$0x3FAE]  }
0x2b: {  	s6 =	sld [smem:$0x3FAF]  }
0x2c: {  	s7 =	sld [smem:$0x3FB0]  }
0x2d: {  	s3 =	simm.s32 $0x108;
	s8 =	sld [smem:$0x3FB1]  }
0x2e: {  	s3 =	simm.s32 @!p0 $0x1082;
	s9 =	sld [smem:$0x3FB2]  }
0x2f: {  	lr =	sadd.s32 s0, s3;
	s0 =	sld [smem:$0x3FA9]  }
0x30: {  	s3 =	sld [smem:$0x3FAC]  }
0x31: {  	[smem:$0x3FB5] =	sst s10  }
0x32: {  	s10 =	sld [smem:$0x3FB3];
	_ =	sdelay $0x3  }
0x33: {  	p0 =	seq.s32 s10, $0x1;
	s10 =	sld [smem:$0x3FB5];
	_ =	sdelay $0x3  }
0x34: {  	[smem:$0x3FB5] =	sst s10  }
0x35: {  	s10 =	sld [smem:$0x3FB4];
	_ =	sdelay $0x3  }
0x36: {  	p1 =	seq.s32 s10, $0x1;
	s10 =	sld [smem:$0x3FB5];
	_ =	sdelay $0x3  }
0x37: {  	[smem:$0x3FB5] =	sst s10  }
0x38: {  	s10 =	sld [smem:$0x3FB6]  }
0x39: {  	_ = 	snop;
	(pc) =	sbr.ind lr, $3  }
0x3a: {  	_ = 	snop  }
0x3b: {  	_ = 	snop  }
0x3c: {  	p2 =	seq.s32 s10, $0x1;
	s10 =	sld [smem:$0x3FB5]  }
0x3d: {  	_ =	shalt  }
0x3e: {  	_ =	shalt  }
0x3f: {  	_ =	shalt  }
0x40: {  	_ =	shalt  }
0x41: {  	_ =	shalt  }
0x42: {  	_ =	shalt  }
0x43: {  	_ =	shalt  }
0x44: {  	_ =	shalt  }
0x45: {  	_ =	shalt  }
0x46: {  	_ =	shalt  }
0x47: {  	_ =	shalt  }
0x48: {  	_ =	shalt  }
0x49: {  	_ =	shalt  }
0x4a: {  	_ =	shalt  }
0x4b: {  	_ =	shalt  }
0x4c: {  	_ =	shalt  }
0x4d: {  	_ =	shalt  }
0x4e: {  	_ =	shalt  }
0x4f: {  	_ =	shalt  }
0x50: {  	_ =	shalt  }
0x51: {  	_ =	shalt  }
0x52: {  	_ =	shalt  }
0x53: {  	_ =	shalt  }
0x54: {  	_ =	shalt  }
0x55: {  	_ =	shalt  }
0x56: {  	_ =	shalt  }
0x57: {  	_ =	shalt  }
0x58: {  	_ =	shalt  }
0x59: {  	_ =	shalt  }
0x5a: {  	_ =	shalt  }
0x5b: {  	_ =	shalt  }
0x5c: {  	_ =	shalt  }
0x5d: {  	_ =	shalt  }
0x5e: {  	_ =	shalt  }
0x5f: {  	_ =	shalt  }
0x60: {  	_ =	shalt  }
0x61: {  	_ =	shalt  }
0x62: {  	_ =	shalt  }
0x63: {  	_ =	shalt  }
0x64: {  	_ =	shalt  }
0x65: {  	_ =	shalt  }
0x66: {  	_ =	shalt  }
0x67: {  	_ =	shalt  }
0x68: {  	_ =	shalt  }
0x69: {  	_ =	shalt  }
0x6a: {  	_ =	shalt  }
0x6b: {  	_ =	shalt  }
0x6c: {  	_ =	shalt  }
0x6d: {  	_ =	shalt  }
0x6e: {  	_ =	shalt  }
0x6f: {  	_ =	shalt  }
0x70: {  	_ =	shalt  }
0x71: {  	_ =	shalt  }
0x72: {  	_ =	shalt  }
0x73: {  	_ =	shalt  }
0x74: {  	_ =	shalt  }
0x75: {  	_ =	shalt  }
0x76: {  	_ =	shalt  }
0x77: {  	_ =	shalt  }
0x78: {  	_ =	shalt  }
0x79: {  	_ =	shalt  }
0x7a: {  	_ =	shalt  }
0x7b: {  	_ =	shalt  }
0x7c: {  	_ =	shalt  }
0x7d: {  	_ =	shalt  }
0x7e: {  	_ =	shalt  }
0x7f: {  	_ =	shalt  }
0x80: {  	_ =	shalt  }
0x81: {  	_ =	shalt  }
0x82: {  	_ =	shalt  }
0x83: {  	_ =	shalt  }
0x84: {  	_ =	shalt  }
0x85: {  	_ =	shalt  }
0x86: {  	_ =	shalt  }
0x87: {  	_ =	shalt  }
.Lfunc_end0:
.L_simem_size_0:
called_computation_lowered:
.L_overlay_start_0:
0x88: {  	s2 =	sld [smem:$0x3FD9]  }
0x89: {  	s3 =	sld [smem:$0x3FFE];
	_ =	sdelay $0x1  }
0x8a: {  	s1 =	srdreg.scid  }
0x8b: {  	s0 =	sand.u32 $0x1, s1  }
0x8c: {  	s28 =	sshll.u32 s0, $0xA;
	s2 =	sadd.s32 s3, s2  }
0x8d: {  	s2 =	sadd.s32 s2, s28  }
0x8e: {  	[smem:$0x3FC1] =	sst s2  }
0x8f: {  	_ = 	snop  }
0x90: {  	s2 =	sld [smem:$0x3FC9]  }
0x91: {  	s3 =	sld [smem:$0x3FC8]  }
0x92: {  	s4 =	sld [smem:$0x3FC7]  }
0x93: {  	s5 =	sld [smem:$0x3FC6]  }
0x94: {  	s6 =	sld [smem:$0x3FD0]  }
0x95: {  	s7 =	sld [smem:$0x3FC5]  }
0x96: {  	s8 =	sld [smem:$0x3FC4]  }
0x97: {  	s10 =	simm.s32 $0xA;
	s11 =	simm.s32 $0x10;
	s9 =	sld [smem:$0x3FC3]  }
0x98: {  	[smem:s11], [sflag:s10] =	dma.local [hbm:s6], $0x1  }
0x99: {  	_ =	swait.eq [sflag:s10], $0x1  }
0x9a: {  	s29 =	sld [smem:$0x10]  }
0x9b: {  	s30 =	sld [smem:$0x11]  }
0x9c: {  	s12 =	sld [smem:$0x12]  }
0x9d: {  	s13 =	sld [smem:$0x13];
	[sflag:s10] =	ssyncset.done $0x0  }
0x9e: {  	s14 =	sld [smem:$0x14];
	[sflag:s10] =	ssyncadd.s32 $0xFFFFFFFF  }
0x9f: {  	s31 =	sld [smem:$0x15];
	(tm) =	ssettm $0x1  }
0xa0: {  	s15 =	sld [smem:$0x3FFB];
	_ =	sdelay $0x3  }
0xa1: {  	_ =	strace s15  }
0xa2: {  	s15 =	sld [smem:$0x3FFC];
	_ =	sdelay $0x3  }
0xa3: {  	_ =	strace s15  }
0xa4: {  	s15 =	sld [smem:$0x3FFD];
	_ =	sdelay $0x3  }
0xa5: {  	_ =	strace s15  }
0xa6: {  	_ =	strace $0x8FFFFFFF  }
0xa7: {  	s20 =	sld [smem:$0x3FDB];
	_ =	sdelay $0x1  }
0xa8: {  	s16 =	simm.s32 $_scs_section_size  }
0xa9: {  	s17 =	simm.s32 $_size__tile_overlayer_lowered;
	s18 =	simm.s32 $_tile_overlayer_lowered  }
0xaa: {  	s23 =	simm.s32 $0x1BFF;
	s22 =	sshll.u32 s18, $0x1;
	s15 =	sadd.s32 s16, s20  }
0xab: {  	s19 =	simm.s32 $0x0;
	s21 =	sshll.u32 s17, $0x1;
	s17 =	sadd.s32 s22, s15  }
0xac: {  	[timem:s19], [sflag:s23] =	dma.local [hbm:s17], s21  }
0xad: {  	_ =	swait.ge [sflag:s23], s21  }
0xae: {  	s16 =	ssub.s32 $0x0, s21;
	[sflag:s23] =	ssyncset.done $0x0  }
0xaf: {  	[sflag:s23] =	ssyncadd.s32 s16;
	_ =	sdelay $0x1  }
0xb0: {  	s24 =	simm.s32 $0x1B8B  }
0xb1: {  	_ =	swait.ge [sflag:s24], $0x1  }
0xb2: {  	[sflag:s24] =	ssyncset.done $0x0  }
0xb3: {  	s25 =	simm.s32 $0x1B8E;
	[sflag:s24] =	ssyncadd.s32 $0xFFFFFFFF  }
0xb4: {  	s26 =	simm.s32 $execute0_lowered;
	[smem:$0x3FD2] =	sst s25  }
0xb5: {  	s16 =	sshll.u32 s26, $0x1;
	_ =	strace $0x80000046;
	[dreg:$0x1] =	wrdreg $0xFFFFFFFF  }
0xb6: {  	s28 =	simm.s32 $_size_execute0_lowered;
	s15 =	sadd.s32 s15, s16;
	[dreg:$0x0] =	wrdreg $0x0  }
0xb7: {  	s16 =	sshll.u32 s28, $0x1;
	[dreg:$0x2] =	wrdreg s15  }
0xb8: {  	[dreg:$0x3] =	wrdreg s16  }
0xb9: {  	[dreg:$0x4] =	wrdreg $0xC0  }
0xba: {  	_ =	task [dreg:s19], $0x5FFFF  }
0xbb: {  	[dreg:$0x1] =	wrdreg $0xFFFFFFFF  }
0xbc: {  	[dreg:$0x0] =	wrdreg $0x60  }
0xbd: {  	[dreg:$0x2] =	wrdreg s2  }
0xbe: {  	[dreg:$0x3] =	wrdreg s3  }
0xbf: {  	[dreg:$0x4] =	wrdreg s4  }
0xc0: {  	[dreg:$0x5] =	wrdreg s5  }
0xc1: {  	[dreg:$0x6] =	wrdreg s7  }
0xc2: {  	[dreg:$0x7] =	wrdreg s8  }
0xc3: {  	[dreg:$0x8] =	wrdreg s9  }
0xc4: {  	[dreg:$0x9] =	wrdreg s29  }
0xc5: {  	[dreg:$0xa] =	wrdreg s30  }
0xc6: {  	[dreg:$0xb] =	wrdreg s12  }
0xc7: {  	[dreg:$0xc] =	wrdreg s13  }
0xc8: {  	[dreg:$0xd] =	wrdreg s14  }
0xc9: {  	[dreg:$0xe] =	wrdreg s31  }
0xca: {  	[dreg:$0xf] =	wrdreg $0x9  }
0xcb: {  	_ =	task.clear_ibuf [dreg:s19], $0x10FFFF;
	_ =	strace $0x90000046  }
0xcc: {  	s29 =	simm.s32 $0x9;
	_ =	strace $0x80000048  }
0xcd: {  	_ =	swait.ge [sflag:s29], $0x1  }
0xce: {  	[sflag:s29] =	ssyncadd.s32 $0xFFFFFFFF  }
0xcf: {  	_ =	strace $0x90000048  }
0xd0: {  	_ =	sfence  }
0xd1: {  	s30 =	sld [smem:$0x0];
	_ =	sdelay $0x2  }
0xd2: {  	s31 =	sshll.u32 s1, $0xD;
	s1 =	sshrl.u32 s1, $0x2  }
0xd3: {  	s3 =	sand.u32 $0x4000, s31;
	s1 =	sadd.s32 s1, s30  }
0xd4: {  	s0 =	sor.u32 s3, s0;
	s1 =	sshll.u32 s1, $0x11  }
0xd5: {  	s0 =	sor.u32 s1, s0  }
0xd6: {  	s0 =	sadd.s32 $0x8F2B, s0  }
0xd7: {  	[sflag:s0] =	ssyncadd.remote.s32 $0x1  }
0xd8: {  	_ =	sfence.sel $0xFFFF  }
0xd9: {  	[dreg:$0x0] =	wrdreg $0xFFFFFFFF;
	(pc) =	sbr.abs _section_cstart, $3  }
0xda: {  	[dreg:$0x1] =	wrdreg $0xFFFFFFFF  }
0xdb: {  	_ =	task.clear_ibuf [dreg:s19], $0x2FFFF;
	_ =	strace $0x9FFFFFFF  }
0xdc: {  	(tm) =	ssettm $0x7FFFFFFF  }
0xdd: {  	_ =	shalt  }
tec
execute0_lowered:
.L_overlay_start_1:
0x0: {  	(tag) =	ssettag $0x1  }
0x1: {  	s0 =	rddreg [dreg:$0x0]  }
0x2: {  	s1 =	rddreg [dreg:$0x1]  }
0x3: {  	s2 =	rddreg [dreg:$0x2]  }
0x4: {  	s3 =	rddreg [dreg:$0x4]  }
0x5: {  	s25 =	rddreg [dreg:$0x5]  }
0x6: {  	s6 =	rddreg [dreg:$0x6]  }
0x7: {  	s7 =	rddreg [dreg:$0x7]  }
0x8: {  	s8 =	rddreg [dreg:$0x8]  }
0x9: {  	s9 =	rddreg [dreg:$0x9]  }
0xa: {  	s10 =	rddreg [dreg:$0xa]  }
0xb: {  	s11 =	rddreg [dreg:$0xb]  }
0xc: {  	s12 =	rddreg [dreg:$0xc]  }
0xd: {  	[dreg:$0xe] =	wrdreg s2  }
0xe: {  	s2 =	rddreg [dreg:$0x3]  }
0xf: {  	[dreg:$0xf] =	wrdreg s3  }
0x10: {  	s5 =	simm.s32 $0x0;
	[dreg:$0x10] =	wrdreg s25  }
0x11: {  	s16 =	simm.s32 $0x1880;
	[smem:$0x7FF] =	sst s5  }
0x12: {  	s17 =	simm.s32 $0x2080;
	_ =	strace $0x80000047;
	[dreg:$0x1a] =	wrdreg s16  }
0x13: {  	s18 =	simm.s32 $0x2880;
	[dreg:$0x1b] =	wrdreg s17  }
0x14: {  	s19 =	simm.s32 $0x3080;
	[dreg:$0x1c] =	wrdreg s18  }
0x15: {  	s20 =	simm.s32 $0x3880;
	[dreg:$0x1d] =	wrdreg s19  }
0x16: {  	s21 =	simm.s32 $0x4080;
	[dreg:$0x1e] =	wrdreg s20  }
0x17: {  	s22 =	simm.s32 $0x4880;
	[dreg:$0x1f] =	wrdreg s21  }
0x18: {  	s23 =	simm.s32 $0x5080;
	[smem:$0x7E5] =	sst s22  }
0x19: {  	s24 =	simm.s32 $0x5880;
	[smem:$0x7E6] =	sst s23  }
0x1a: {  	s26 =	stileid.u32;
	s25 =	simm.s32 $0x6080;
	[smem:$0x7E7] =	sst s24  }
0x1b: {  	s13 =	sshll.u32 s26, $0x8;
	s26 =	simm.s32 $0x6880;
	[smem:$0x7E8] =	sst s25  }
0x1c: {  	[smem:$0x7E9] =	sst s26;
	s16 =	simm.s32 $0xD100  }
0x1d: {  	s4 =	srdreg.scid;
	s17 =	simm.s32 $0xD900;
	[smem:$0x7F4] =	sst s16  }
0x1e: {  	s28 =	simm.s32 $0x4;
	s19 =	simm.s32 $0xE100;
	[smem:$0x7F5] =	sst s17  }
0x1f: {  	s29 =	simm.s32 $0x2;
	s20 =	simm.s32 $0xE900;
	[smem:$0x7F6] =	sst s19  }
0x20: {  	s30 =	simm.s32 $0x3;
	s21 =	simm.s32 $0xF100;
	[smem:$0x7F7] =	sst s20  }
0x21: {  	s31 =	simm.s32 $0x5;
	s22 =	simm.s32 $0xF900;
	[smem:$0x7F8] =	sst s21  }
0x22: {  	s4 =	sand.u32 $0x1, s4;
	s23 =	simm.s32 $0x10100;
	[smem:$0x7F9] =	sst s22  }
0x23: {  	s14 =	sshll.u32 s4, $0x7;
	s24 =	simm.s32 $0x8480;
	[smem:$0x7FA] =	sst s23  }
0x24: {  	s4 =	ssub.s32 $0x2, s4;
	s25 =	simm.s32 $0x8500;
	[smem:$0x7FB] =	sst s24  }
0x25: {  	s26 =	simm.s32 $0x8100;
	s13 =	sor.u32 s14, s13;
	[smem:$0x7FC] =	sst s25  }
0x26: {  	[smem:$0x7FD] =	sst s26;
	s14 =	sshrl.u32 s13, $0x3;
	s8 =	sadd.s32 s8, s13  }
0x27: {  	s15 =	sshll.u32 s13, $0x5;
	s6 =	sadd.s32 s6, s14;
	[dreg:$0x14] =	wrdreg s8  }
0x28: {  	s18 =	sshrl.u32 s4, $0x1;
	s3 =	sadd.s32 s7, s15;
	[dreg:$0x11] =	wrdreg s6  }
0x29: {  	s16 =	simm.s32 $0x8600;
	s7 =	sadd.s32 s10, s15;
	[dreg:$0x12] =	wrdreg s3  }
0x2a: {  	s17 =	simm.s32 $0x8200;
	s10 =	sadd.s32 s9, s14;
	[dreg:$0x13] =	wrdreg s7  }
0x2b: {  	s19 =	simm.s32 $0x8280;
	s11 =	sadd.s32 s11, s14;
	[dreg:$0x15] =	wrdreg s10  }
0x2c: {  	s20 =	simm.s32 $0x8700;
	s13 =	sadd.s32 s12, s14;
	[dreg:$0x16] =	wrdreg s11  }
0x2d: {  	s21 =	simm.s32 $0x8300;
	s14 =	simm.s32 $0x880;
	[dreg:$0x17] =	wrdreg s13  }
0x2e: {  	s22 =	simm.s32 $0x8780;
	s15 =	simm.s32 $0x1080;
	[dreg:$0x18] =	wrdreg s14  }
0x2f: {  	s23 =	simm.s32 $0x8380;
	s8 =	simm.s32 $0x9100;
	[dreg:$0x19] =	wrdreg s15  }
0x30: {  	s24 =	simm.s32 $0x8800;
	s9 =	simm.s32 $0x9900;
	[smem:$0x7EC] =	sst s8  }
0x31: {  	s25 =	simm.s32 $0x8400;
	s12 =	simm.s32 $0xB100;
	[smem:$0x7ED] =	sst s9  }
0x32: {  	s26 =	simm.s32 $0x1;
	s3 =	simm.s32 $0x7080;
	[smem:$0x7F0] =	sst s12  }
0x33: {  	s4 =	ssub.s32 s4, s18;
	s7 =	simm.s32 $0x7880;
	[smem:$0x7EA] =	sst s3  }
0x34: {  	s18 =	simm.s32 $0x8680;
	s10 =	simm.s32 $0xA100;
	[smem:$0x7EB] =	sst s7  }
0x35: {  	s11 =	simm.s32 $0xA900;
	s13 =	simm.s32 $0xB900;
	[smem:$0x7EE] =	sst s10  }
0x36: {  	s14 =	simm.s32 $0xC100;
	s15 =	simm.s32 $0xC900;
	[smem:$0x7EF] =	sst s11  }
0x37: {  	s6 =	smax.u32 s4, $0x1;
	s8 =	simm.s32 $0x80;
	[smem:$0x7F1] =	sst s13  }
0x38: {  	v2 =	vlaneseq.u32;
	s9 =	simm.s32 $0x8900;
	s12 =	simm.s32 $0x10980;
	[smem:$0x7F2] =	sst s14  }
0x39: {  	vm0 =	vmmov $0xffff;
	v1 =	vshrl.u32 v2, $0x3;
	s4 =	simm.s32 $0x6;
	[smem:$0x7F3] =	sst s15;
	s7 =	simm.s32 $0x7  }
0x3a: {  	v0 =	vand.u32 $0x7, v2;
	v2 =	vor.u32 $0x8, v2;
	v1 =	vmul.u32 $0x8, v1;
	s10 =	simm.s32 $0x8880;
	s11 =	simm.s32 $0x10900;
	s13 =	simm.s32 $0x8080  }
.LBB2_1:
0x3b: {  	s3 =	rddreg [dreg:$0x11]  }
0x3c: {  	[tilespmem:s5], [sflag:$0x7] =	stream.linear.gather [hbm4b:s3+s5], $0x80, $0x38;
	[tilespmem:$0x10A00] =	vst v63  }
0x3d: {  	_ =	swait.ge [sflag:s7], $0x80  }
0x3e: {  	[sflag:s7] =	ssyncset.done $0x0  }
0x3f: {  	[sflag:s7] =	ssyncadd.s32 $0xFFFFFF80  }
0x40: {  	v3 =	vld [tilespmem:$0x0];
	_ =	sdelay $0x4  }
0x41: {  	v4 =	vshll.u32 v3, $0x3  }
0x42: {  	v5 =	vand.u32 $0x1FFFF, v3;
	v3 =	vand.u32 $0x7F, v3;
	v4 =	vand.u32 $0xFFC00, v4  }
0x43: {  	[tilespmem:$0x0] =	vst v5;
	v3 =	vor.u32 v3, v4  }
0x44: {  	[tilespmem:$0x8480] =	vst v3;
	v4 =	vor.u32 $0x80, v3  }
0x45: {  	v55 =	vld [tilespmem:$0x10];
	v54 =	vor.u32 $0x100, v3;
	[tilespmem:$0x8500] =	vst v4  }
0x46: {  	v56 =	vor.u32 $0x180, v3;
	[tilespmem:$0x8580] =	vst v54  }
0x47: {  	v57 =	vor.u32 $0x200, v3;
	[tilespmem:$0x8600] =	vst v56  }
0x48: {  	v58 =	vor.u32 $0x280, v3;
	[tilespmem:$0x8680] =	vst v57  }
0x49: {  	v59 =	vor.u32 $0x300, v3;
	[tilespmem:$0x8700] =	vst v58  }
0x4a: {  	v60 =	vshll.u32 v55, $0x3;
	v3 =	vor.u32 $0x380, v3;
	[tilespmem:$0x8780] =	vst v59  }
0x4b: {  	v5 =	vand.u32 $0x7F, v55;
	[tilespmem:$0x8800] =	vst v3;
	v3 =	vand.u32 $0x1FFFF, v55;
	v4 =	vand.u32 $0xFFC00, v60  }
0x4c: {  	[tilespmem:$0x10] =	vst v3;
	v3 =	vor.u32 v5, v4  }
0x4d: {  	[tilespmem:$0x8490] =	vst v3;
	v4 =	vor.u32 $0x80, v3  }
0x4e: {  	v62 =	vld [tilespmem:$0x20];
	v61 =	vor.u32 $0x100, v3;
	[tilespmem:$0x8510] =	vst v4  }
0x4f: {  	v63 =	vor.u32 $0x180, v3;
	[tilespmem:$0x8590] =	vst v61  }
0x50: {  	v8 =	vor.u32 $0x200, v3;
	[tilespmem:$0x8610] =	vst v63  }
0x51: {  	v9 =	vor.u32 $0x280, v3;
	[tilespmem:$0x8690] =	vst v8  }
0x52: {  	v10 =	vor.u32 $0x300, v3;
	[tilespmem:$0x8710] =	vst v9  }
0x53: {  	v11 =	vshll.u32 v62, $0x3;
	v3 =	vor.u32 $0x380, v3;
	[tilespmem:$0x8790] =	vst v10  }
0x54: {  	v5 =	vand.u32 $0x7F, v62;
	[tilespmem:$0x8810] =	vst v3;
	v3 =	vand.u32 $0x1FFFF, v62;
	v4 =	vand.u32 $0xFFC00, v11  }
0x55: {  	[tilespmem:$0x20] =	vst v3;
	v3 =	vor.u32 v5, v4  }
0x56: {  	[tilespmem:$0x84A0] =	vst v3;
	v4 =	vor.u32 $0x80, v3  }
0x57: {  	v13 =	vld [tilespmem:$0x30];
	v12 =	vor.u32 $0x100, v3;
	[tilespmem:$0x8520] =	vst v4  }
0x58: {  	v14 =	vor.u32 $0x180, v3;
	[tilespmem:$0x85A0] =	vst v12  }
0x59: {  	v15 =	vor.u32 $0x200, v3;
	[tilespmem:$0x8620] =	vst v14  }
0x5a: {  	v16 =	vor.u32 $0x280, v3;
	[tilespmem:$0x86A0] =	vst v15  }
0x5b: {  	v17 =	vor.u32 $0x300, v3;
	[tilespmem:$0x8720] =	vst v16  }
0x5c: {  	v18 =	vshll.u32 v13, $0x3;
	v3 =	vor.u32 $0x380, v3;
	[tilespmem:$0x87A0] =	vst v17  }
0x5d: {  	v5 =	vand.u32 $0x7F, v13;
	[tilespmem:$0x8820] =	vst v3;
	v3 =	vand.u32 $0x1FFFF, v13;
	v4 =	vand.u32 $0xFFC00, v18  }
0x5e: {  	[tilespmem:$0x30] =	vst v3;
	v3 =	vor.u32 v5, v4  }
0x5f: {  	[tilespmem:$0x84B0] =	vst v3;
	v4 =	vor.u32 $0x80, v3  }
0x60: {  	v20 =	vld [tilespmem:$0x40];
	v19 =	vor.u32 $0x100, v3;
	[tilespmem:$0x8530] =	vst v4  }
0x61: {  	v21 =	vor.u32 $0x180, v3;
	[tilespmem:$0x85B0] =	vst v19  }
0x62: {  	v22 =	vor.u32 $0x200, v3;
	[tilespmem:$0x8630] =	vst v21  }
0x63: {  	v23 =	vor.u32 $0x280, v3;
	[tilespmem:$0x86B0] =	vst v22  }
0x64: {  	v24 =	vor.u32 $0x300, v3;
	[tilespmem:$0x8730] =	vst v23  }
0x65: {  	v25 =	vshll.u32 v20, $0x3;
	v3 =	vor.u32 $0x380, v3;
	[tilespmem:$0x87B0] =	vst v24  }
0x66: {  	v5 =	vand.u32 $0x7F, v20;
	[tilespmem:$0x8830] =	vst v3;
	v3 =	vand.u32 $0x1FFFF, v20;
	v4 =	vand.u32 $0xFFC00, v25  }
0x67: {  	[tilespmem:$0x40] =	vst v3;
	v3 =	vor.u32 v5, v4  }
0x68: {  	[tilespmem:$0x84C0] =	vst v3;
	v4 =	vor.u32 $0x80, v3  }
0x69: {  	v27 =	vld [tilespmem:$0x50];
	v26 =	vor.u32 $0x100, v3;
	[tilespmem:$0x8540] =	vst v4  }
0x6a: {  	v28 =	vor.u32 $0x180, v3;
	[tilespmem:$0x85C0] =	vst v26  }
0x6b: {  	v29 =	vor.u32 $0x200, v3;
	[tilespmem:$0x8640] =	vst v28  }
0x6c: {  	v30 =	vor.u32 $0x280, v3;
	[tilespmem:$0x86C0] =	vst v29  }
0x6d: {  	v31 =	vor.u32 $0x300, v3;
	[tilespmem:$0x8740] =	vst v30  }
0x6e: {  	v32 =	vshll.u32 v27, $0x3;
	v3 =	vor.u32 $0x380, v3;
	[tilespmem:$0x87C0] =	vst v31  }
0x6f: {  	v5 =	vand.u32 $0x7F, v27;
	[tilespmem:$0x8840] =	vst v3;
	v3 =	vand.u32 $0x1FFFF, v27;
	v4 =	vand.u32 $0xFFC00, v32  }
0x70: {  	[tilespmem:$0x50] =	vst v3;
	v3 =	vor.u32 v5, v4  }
0x71: {  	[tilespmem:$0x84D0] =	vst v3;
	v4 =	vor.u32 $0x80, v3  }
0x72: {  	v34 =	vld [tilespmem:$0x60];
	v33 =	vor.u32 $0x100, v3;
	[tilespmem:$0x8550] =	vst v4  }
0x73: {  	v35 =	vor.u32 $0x180, v3;
	[tilespmem:$0x85D0] =	vst v33  }
0x74: {  	v36 =	vor.u32 $0x200, v3;
	[tilespmem:$0x8650] =	vst v35  }
0x75: {  	v37 =	vor.u32 $0x280, v3;
	[tilespmem:$0x86D0] =	vst v36  }
0x76: {  	v38 =	vor.u32 $0x300, v3;
	[tilespmem:$0x8750] =	vst v37  }
0x77: {  	v39 =	vshll.u32 v34, $0x3;
	v3 =	vor.u32 $0x380, v3;
	[tilespmem:$0x87D0] =	vst v38  }
0x78: {  	v5 =	vand.u32 $0x7F, v34;
	[tilespmem:$0x8850] =	vst v3;
	v3 =	vand.u32 $0x1FFFF, v34;
	v4 =	vand.u32 $0xFFC00, v39  }
0x79: {  	[tilespmem:$0x60] =	vst v3;
	v3 =	vor.u32 v5, v4  }
0x7a: {  	v40 =	vld [tilespmem:$0x70];
	[tilespmem:$0x84E0] =	vst v3;
	v4 =	vor.u32 $0x80, v3  }
0x7b: {  	v41 =	vor.u32 $0x100, v3;
	[tilespmem:$0x8560] =	vst v4  }
0x7c: {  	v6 =	vld [tilespmem:$0x0];
	v42 =	vor.u32 $0x180, v3;
	[tilespmem:$0x85E0] =	vst v41  }
0x7d: {  	v43 =	vor.u32 $0x200, v3;
	[tilespmem:$0x8660] =	vst v42  }
0x7e: {  	v44 =	vor.u32 $0x280, v3;
	[tilespmem:$0x86E0] =	vst v43  }
0x7f: {  	v7 =	vshll.u32 v40, $0x3;
	v45 =	vor.u32 $0x300, v3;
	[tilespmem:$0x8760] =	vst v44  }
0x80: {  	v47 =	vand.u32 $0x7F, v40;
	v46 =	vand.u32 $0xFFC00, v7;
	v3 =	vor.u32 $0x380, v3;
	[tilespmem:$0x87E0] =	vst v45  }
0x81: {  	v48 =	vshll.u32 v6, $0x1;
	[tilespmem:$0x8860] =	vst v3;
	v3 =	vand.u32 $0x1FFFF, v40;
	v4 =	vor.u32 v47, v46  }
0x82: {  	v6 =	vand.u32 $0x7, v6;
	v5 =	vand.u32 $0xFFFFFFF0, v48;
	[tilespmem:$0x70] =	vst v3;
	v3 =	vor.u32 $0x80, v4  }
0x83: {  	v5 =	vor.u32 v6, v5;
	[tilespmem:$0x8570] =	vst v3;
	v3 =	vor.u32 $0x100, v4  }
0x84: {  	v6 =	vperm.xlane v5, v0;
	[tilespmem:$0x85F0] =	vst v3;
	v3 =	vor.u32 $0x180, v4  }
0x85: {  	[tilespmem:$0x8670] =	vst v3;
	v3 =	vor.u32 $0x200, v4  }
0x86: {  	v5 =	vperm.xlane v5, v2;
	v6 =	vadd.s32 v1, v6;
	[tilespmem:$0x86F0] =	vst v3;
	v3 =	vor.u32 $0x280, v4  }
0x87: {  	[tilespmem:$0x8770] =	vst v3;
	v3 =	vor.u32 $0x300, v4  }
0x88: {  	[tilespmem:$0x87F0] =	vst v3;
	v3 =	vadd.s32 v1, v5  }
0x89: {  	[tilespmem:$0x84F0] =	vst v4;
	v4 =	vor.u32 $0x380, v4  }
0x8a: {  	[tilespmem:$0x8870] =	vst v4  }
0x8b: {  	[tilespmem:s8], [sflag:$0x1] =	stream.indirect_vreg.gather [hbm4b:s0+s5], $0x80, v6, vm0, $0xb8;
	[tilespmem:$0x10A00] =	vst v63  }
0x8c: {  	s14 =	rddreg [dreg:$0x18]  }
0x8d: {  	[tilespmem:s14], [sflag:$0x1] =	stream.indirect_vreg.gather [hbm4b:s0+s5], $0x80, v3, vm0, $0xb8;
	[tilespmem:$0x10A00] =	vst v63  }
0x8e: {  	v3 =	vld [tilespmem:$0x10];
	_ =	sdelay $0x4  }
0x8f: {  	v49 =	vshll.u32 v3, $0x1  }
0x90: {  	v3 =	vand.u32 $0x7, v3;
	v4 =	vand.u32 $0xFFFFFFF0, v49  }
0x91: {  	v3 =	vor.u32 v3, v4  }
0x92: {  	v4 =	vperm.xlane v3, v0;
	_ =	sdelay $0x1  }
0x93: {  	v3 =	vperm.xlane v3, v2;
	v4 =	vadd.s32 v1, v4;
	_ =	sdelay $0x1  }
0x94: {  	v3 =	vadd.s32 v1, v3;
	_ =	sdelay $0x1  }
0x95: {  	s15 =	rddreg [dreg:$0x19]  }
0x96: {  	[tilespmem:s15], [sflag:$0x1] =	stream.indirect_vreg.gather [hbm4b:s0+s5], $0x80, v4, vm0, $0xb8;
	[tilespmem:$0x10A00] =	vst v63  }
0x97: {  	s14 =	rddreg [dreg:$0x1a]  }
0x98: {  	[tilespmem:s14], [sflag:$0x1] =	stream.indirect_vreg.gather [hbm4b:s0+s5], $0x80, v3, vm0, $0xb8;
	[tilespmem:$0x10A00] =	vst v63  }
0x99: {  	v3 =	vld [tilespmem:$0x20];
	_ =	sdelay $0x4  }
0x9a: {  	v50 =	vshll.u32 v3, $0x1  }
0x9b: {  	v3 =	vand.u32 $0x7, v3;
	v4 =	vand.u32 $0xFFFFFFF0, v50  }
0x9c: {  	v3 =	vor.u32 v3, v4  }
0x9d: {  	v4 =	vperm.xlane v3, v0;
	_ =	sdelay $0x1  }
0x9e: {  	v3 =	vperm.xlane v3, v2;
	v4 =	vadd.s32 v1, v4;
	_ =	sdelay $0x1  }
0x9f: {  	v3 =	vadd.s32 v1, v3;
	_ =	sdelay $0x1  }
0xa0: {  	s14 =	rddreg [dreg:$0x1b]  }
0xa1: {  	[tilespmem:s14], [sflag:$0x1] =	stream.indirect_vreg.gather [hbm4b:s0+s5], $0x80, v4, vm0, $0xb8;
	[tilespmem:$0x10A00] =	vst v63  }
0xa2: {  	s15 =	rddreg [dreg:$0x1c]  }
0xa3: {  	[tilespmem:s15], [sflag:$0x1] =	stream.indirect_vreg.gather [hbm4b:s0+s5], $0x80, v3, vm0, $0xb8;
	[tilespmem:$0x10A00] =	vst v63  }
0xa4: {  	v3 =	vld [tilespmem:$0x30];
	_ =	sdelay $0x4  }
0xa5: {  	v51 =	vshll.u32 v3, $0x1  }
0xa6: {  	v3 =	vand.u32 $0x7, v3;
	v4 =	vand.u32 $0xFFFFFFF0, v51  }
0xa7: {  	v3 =	vor.u32 v3, v4  }
0xa8: {  	v4 =	vperm.xlane v3, v0;
	_ =	sdelay $0x1  }
0xa9: {  	v3 =	vperm.xlane v3, v2;
	v4 =	vadd.s32 v1, v4;
	_ =	sdelay $0x1  }
0xaa: {  	v3 =	vadd.s32 v1, v3;
	_ =	sdelay $0x1  }
0xab: {  	s14 =	rddreg [dreg:$0x1d]  }
0xac: {  	[tilespmem:s14], [sflag:$0x1] =	stream.indirect_vreg.gather [hbm4b:s0+s5], $0x80, v4, vm0, $0xb8;
	[tilespmem:$0x10A00] =	vst v63  }
0xad: {  	s15 =	rddreg [dreg:$0x1e]  }
0xae: {  	[tilespmem:s15], [sflag:$0x1] =	stream.indirect_vreg.gather [hbm4b:s0+s5], $0x80, v3, vm0, $0xb8;
	[tilespmem:$0x10A00] =	vst v63  }
0xaf: {  	v3 =	vld [tilespmem:$0x40];
	_ =	sdelay $0x4  }
0xb0: {  	v52 =	vshll.u32 v3, $0x1  }
0xb1: {  	v3 =	vand.u32 $0x7, v3;
	v4 =	vand.u32 $0xFFFFFFF0, v52  }
0xb2: {  	v3 =	vor.u32 v3, v4  }
0xb3: {  	v4 =	vperm.xlane v3, v0;
	_ =	sdelay $0x1  }
0xb4: {  	v3 =	vperm.xlane v3, v2;
	v4 =	vadd.s32 v1, v4;
	_ =	sdelay $0x1  }
0xb5: {  	v3 =	vadd.s32 v1, v3  }
0xb6: {  	s14 =	rddreg [dreg:$0x1f]  }
0xb7: {  	s15 =	sld [smem:$0x7E5]  }
0xb8: {  	[tilespmem:s14], [sflag:$0x1] =	stream.indirect_vreg.gather [hbm4b:s0+s5], $0x80, v4, vm0, $0xb8;
	[tilespmem:$0x10A00] =	vst v63  }
0xb9: {  	_ = 	snop  }
0xba: {  	[tilespmem:s15], [sflag:$0x1] =	stream.indirect_vreg.gather [hbm4b:s0+s5], $0x80, v3, vm0, $0xb8;
	[tilespmem:$0x10A00] =	vst v63  }
0xbb: {  	v3 =	vld [tilespmem:$0x50];
	_ =	sdelay $0x4  }
0xbc: {  	v53 =	vshll.u32 v3, $0x1  }
0xbd: {  	v3 =	vand.u32 $0x7, v3;
	v4 =	vand.u32 $0xFFFFFFF0, v53  }
0xbe: {  	v3 =	vor.u32 v3, v4  }
0xbf: {  	v4 =	vperm.xlane v3, v0;
	_ =	sdelay $0x1  }
0xc0: {  	v3 =	vperm.xlane v3, v2;
	v4 =	vadd.s32 v1, v4;
	_ =	sdelay $0x1  }
0xc1: {  	s14 =	sld [smem:$0x7E6];
	v3 =	vadd.s32 v1, v3;
	_ =	sdelay $0x1  }
0xc2: {  	s15 =	sld [smem:$0x7E7]  }
0xc3: {  	[tilespmem:s14], [sflag:$0x1] =	stream.indirect_vreg.gather [hbm4b:s0+s5], $0x80, v4, vm0, $0xb8;
	[tilespmem:$0x10A00] =	vst v63  }
0xc4: {  	_ = 	snop  }
0xc5: {  	[tilespmem:s15], [sflag:$0x1] =	stream.indirect_vreg.gather [hbm4b:s0+s5], $0x80, v3, vm0, $0xb8;
	[tilespmem:$0x10A00] =	vst v63  }
0xc6: {  	v3 =	vld [tilespmem:$0x60];
	_ =	sdelay $0x4  }
0xc7: {  	v54 =	vshll.u32 v3, $0x1  }
0xc8: {  	v3 =	vand.u32 $0x7, v3;
	v4 =	vand.u32 $0xFFFFFFF0, v54  }
0xc9: {  	v3 =	vor.u32 v3, v4  }
0xca: {  	v4 =	vperm.xlane v3, v0;
	_ =	sdelay $0x1  }
0xcb: {  	v3 =	vperm.xlane v3, v2;
	v4 =	vadd.s32 v1, v4;
	_ =	sdelay $0x1  }
0xcc: {  	s14 =	sld [smem:$0x7E8];
	v3 =	vadd.s32 v1, v3;
	_ =	sdelay $0x1  }
0xcd: {  	s15 =	sld [smem:$0x7E9]  }
0xce: {  	[tilespmem:s14], [sflag:$0x1] =	stream.indirect_vreg.gather [hbm4b:s0+s5], $0x80, v4, vm0, $0xb8;
	[tilespmem:$0x10A00] =	vst v63  }
0xcf: {  	_ = 	snop  }
0xd0: {  	[tilespmem:s15], [sflag:$0x1] =	stream.indirect_vreg.gather [hbm4b:s0+s5], $0x80, v3, vm0, $0xb8;
	[tilespmem:$0x10A00] =	vst v63  }
0xd1: {  	v3 =	vld [tilespmem:$0x70];
	_ =	sdelay $0x4  }
0xd2: {  	v55 =	vshll.u32 v3, $0x1  }
0xd3: {  	v3 =	vand.u32 $0x7, v3;
	v4 =	vand.u32 $0xFFFFFFF0, v55  }
0xd4: {  	v3 =	vor.u32 v3, v4  }
0xd5: {  	v4 =	vperm.xlane v3, v0;
	_ =	sdelay $0x1  }
0xd6: {  	v3 =	vperm.xlane v3, v2;
	v4 =	vadd.s32 v1, v4;
	_ =	sdelay $0x1  }
0xd7: {  	s14 =	sld [smem:$0x7EA];
	v3 =	vadd.s32 v1, v3;
	_ =	sdelay $0x1  }
0xd8: {  	s15 =	sld [smem:$0x7EB]  }
0xd9: {  	[tilespmem:s14], [sflag:$0x1] =	stream.indirect_vreg.gather [hbm4b:s0+s5], $0x80, v4, vm0, $0xb8;
	[tilespmem:$0x10A00] =	vst v63  }
0xda: {  	_ = 	snop  }
0xdb: {  	[tilespmem:s15], [sflag:$0x1] =	stream.indirect_vreg.gather [hbm4b:s0+s5], $0x80, v3, vm0, $0xb8;
	[tilespmem:$0x10A00] =	vst v63  }
0xdc: {  	v3 =	vld [tilespmem:$0x0];
	_ =	sdelay $0x4  }
0xdd: {  	v56 =	vshll.u32 v3, $0x1  }
0xde: {  	v3 =	vand.u32 $0x7, v3;
	v4 =	vand.u32 $0xFFFFFFF0, v56  }
0xdf: {  	v3 =	vor.u32 v3, v4  }
0xe0: {  	v4 =	vperm.xlane v3, v0;
	_ =	sdelay $0x1  }
0xe1: {  	v3 =	vperm.xlane v3, v2;
	v4 =	vadd.s32 v1, v4;
	_ =	sdelay $0x1  }
0xe2: {  	v3 =	vadd.s32 v1, v3;
	_ =	sdelay $0x1  }
0xe3: {  	s15 =	sld [smem:$0x7EC]  }
0xe4: {  	[tilespmem:s9], [sflag:$0x4] =	stream.indirect_vreg.gather [hbm4b:s2+s5], $0x80, v4, vm0, $0xb8;
	[tilespmem:$0x10A00] =	vst v63  }
0xe5: {  	_ = 	snop  }
0xe6: {  	[tilespmem:s15], [sflag:$0x4] =	stream.indirect_vreg.gather [hbm4b:s2+s5], $0x80, v3, vm0, $0xb8;
	[tilespmem:$0x10A00] =	vst v63  }
0xe7: {  	v3 =	vld [tilespmem:$0x10];
	_ =	sdelay $0x4  }
0xe8: {  	v57 =	vshll.u32 v3, $0x1  }
0xe9: {  	v3 =	vand.u32 $0x7, v3;
	v4 =	vand.u32 $0xFFFFFFF0, v57  }
0xea: {  	v3 =	vor.u32 v3, v4  }
0xeb: {  	v4 =	vperm.xlane v3, v0;
	_ =	sdelay $0x1  }
0xec: {  	v3 =	vperm.xlane v3, v2;
	v4 =	vadd.s32 v1, v4;
	_ =	sdelay $0x1  }
0xed: {  	s14 =	sld [smem:$0x7ED];
	v3 =	vadd.s32 v1, v3;
	_ =	sdelay $0x1  }
0xee: {  	s15 =	sld [smem:$0x7EE]  }
0xef: {  	[tilespmem:s14], [sflag:$0x4] =	stream.indirect_vreg.gather [hbm4b:s2+s5], $0x80, v4, vm0, $0xb8;
	[tilespmem:$0x10A00] =	vst v63  }
0xf0: {  	_ = 	snop  }
0xf1: {  	[tilespmem:s15], [sflag:$0x4] =	stream.indirect_vreg.gather [hbm4b:s2+s5], $0x80, v3, vm0, $0xb8;
	[tilespmem:$0x10A00] =	vst v63  }
0xf2: {  	v3 =	vld [tilespmem:$0x20];
	_ =	sdelay $0x4  }
0xf3: {  	v58 =	vshll.u32 v3, $0x1  }
0xf4: {  	v3 =	vand.u32 $0x7, v3;
	v4 =	vand.u32 $0xFFFFFFF0, v58  }
0xf5: {  	v3 =	vor.u32 v3, v4  }
0xf6: {  	v4 =	vperm.xlane v3, v0;
	_ =	sdelay $0x1  }
0xf7: {  	v3 =	vperm.xlane v3, v2;
	v4 =	vadd.s32 v1, v4;
	_ =	sdelay $0x1  }
0xf8: {  	s14 =	sld [smem:$0x7EF];
	v3 =	vadd.s32 v1, v3;
	_ =	sdelay $0x1  }
0xf9: {  	s15 =	sld [smem:$0x7F0]  }
0xfa: {  	[tilespmem:s14], [sflag:$0x4] =	stream.indirect_vreg.gather [hbm4b:s2+s5], $0x80, v4, vm0, $0xb8;
	[tilespmem:$0x10A00] =	vst v63  }
0xfb: {  	_ = 	snop  }
0xfc: {  	[tilespmem:s15], [sflag:$0x4] =	stream.indirect_vreg.gather [hbm4b:s2+s5], $0x80, v3, vm0, $0xb8;
	[tilespmem:$0x10A00] =	vst v63  }
0xfd: {  	v3 =	vld [tilespmem:$0x30];
	_ =	sdelay $0x4  }
0xfe: {  	v59 =	vshll.u32 v3, $0x1  }
0xff: {  	v3 =	vand.u32 $0x7, v3;
	v4 =	vand.u32 $0xFFFFFFF0, v59  }
0x100: {  	v3 =	vor.u32 v3, v4  }
0x101: {  	v4 =	vperm.xlane v3, v0;
	_ =	sdelay $0x1  }
0x102: {  	v3 =	vperm.xlane v3, v2;
	v4 =	vadd.s32 v1, v4;
	_ =	sdelay $0x1  }
0x103: {  	s14 =	sld [smem:$0x7F1];
	v3 =	vadd.s32 v1, v3;
	_ =	sdelay $0x1  }
0x104: {  	s15 =	sld [smem:$0x7F2]  }
0x105: {  	[tilespmem:s14], [sflag:$0x4] =	stream.indirect_vreg.gather [hbm4b:s2+s5], $0x80, v4, vm0, $0xb8;
	[tilespmem:$0x10A00] =	vst v63  }
0x106: {  	_ = 	snop  }
0x107: {  	[tilespmem:s15], [sflag:$0x4] =	stream.indirect_vreg.gather [hbm4b:s2+s5], $0x80, v3, vm0, $0xb8;
	[tilespmem:$0x10A00] =	vst v63  }
0x108: {  	v3 =	vld [tilespmem:$0x40];
	_ =	sdelay $0x4  }
0x109: {  	v60 =	vshll.u32 v3, $0x1  }
0x10a: {  	v3 =	vand.u32 $0x7, v3;
	v4 =	vand.u32 $0xFFFFFFF0, v60  }
0x10b: {  	v3 =	vor.u32 v3, v4  }
0x10c: {  	v4 =	vperm.xlane v3, v0;
	_ =	sdelay $0x1  }
0x10d: {  	v3 =	vperm.xlane v3, v2;
	v4 =	vadd.s32 v1, v4;
	_ =	sdelay $0x1  }
0x10e: {  	s14 =	sld [smem:$0x7F3];
	v3 =	vadd.s32 v1, v3;
	_ =	sdelay $0x1  }
0x10f: {  	s15 =	sld [smem:$0x7F4]  }
0x110: {  	[tilespmem:s14], [sflag:$0x4] =	stream.indirect_vreg.gather [hbm4b:s2+s5], $0x80, v4, vm0, $0xb8;
	[tilespmem:$0x10A00] =	vst v63  }
0x111: {  	_ = 	snop  }
0x112: {  	[tilespmem:s15], [sflag:$0x4] =	stream.indirect_vreg.gather [hbm4b:s2+s5], $0x80, v3, vm0, $0xb8;
	[tilespmem:$0x10A00] =	vst v63  }
0x113: {  	v3 =	vld [tilespmem:$0x50];
	_ =	sdelay $0x4  }
0x114: {  	v61 =	vshll.u32 v3, $0x1  }
0x115: {  	v3 =	vand.u32 $0x7, v3;
	v4 =	vand.u32 $0xFFFFFFF0, v61  }
0x116: {  	v3 =	vor.u32 v3, v4  }
0x117: {  	v4 =	vperm.xlane v3, v0;
	_ =	sdelay $0x1  }
0x118: {  	v3 =	vperm.xlane v3, v2;
	v4 =	vadd.s32 v1, v4;
	_ =	sdelay $0x1  }
0x119: {  	s14 =	sld [smem:$0x7F5];
	v3 =	vadd.s32 v1, v3;
	_ =	sdelay $0x1  }
0x11a: {  	s15 =	sld [smem:$0x7F6]  }
0x11b: {  	[tilespmem:s14], [sflag:$0x4] =	stream.indirect_vreg.gather [hbm4b:s2+s5], $0x80, v4, vm0, $0xb8;
	[tilespmem:$0x10A00] =	vst v63  }
0x11c: {  	_ = 	snop  }
0x11d: {  	[tilespmem:s15], [sflag:$0x4] =	stream.indirect_vreg.gather [hbm4b:s2+s5], $0x80, v3, vm0, $0xb8;
	[tilespmem:$0x10A00] =	vst v63  }
0x11e: {  	v3 =	vld [tilespmem:$0x60];
	_ =	sdelay $0x4  }
0x11f: {  	v62 =	vshll.u32 v3, $0x1  }
0x120: {  	v3 =	vand.u32 $0x7, v3;
	v4 =	vand.u32 $0xFFFFFFF0, v62  }
0x121: {  	v3 =	vor.u32 v3, v4  }
0x122: {  	v4 =	vperm.xlane v3, v0;
	_ =	sdelay $0x1  }
0x123: {  	v3 =	vperm.xlane v3, v2;
	v4 =	vadd.s32 v1, v4;
	_ =	sdelay $0x1  }
0x124: {  	s14 =	sld [smem:$0x7F7];
	v3 =	vadd.s32 v1, v3;
	_ =	sdelay $0x1  }
0x125: {  	s15 =	sld [smem:$0x7F8]  }
0x126: {  	[tilespmem:s14], [sflag:$0x4] =	stream.indirect_vreg.gather [hbm4b:s2+s5], $0x80, v4, vm0, $0xb8;
	[tilespmem:$0x10A00] =	vst v63  }
0x127: {  	_ = 	snop  }
0x128: {  	[tilespmem:s15], [sflag:$0x4] =	stream.indirect_vreg.gather [hbm4b:s2+s5], $0x80, v3, vm0, $0xb8;
	[tilespmem:$0x10A00] =	vst v63  }
0x129: {  	v3 =	vld [tilespmem:$0x70];
	_ =	sdelay $0x4  }
0x12a: {  	v63 =	vshll.u32 v3, $0x1  }
0x12b: {  	v3 =	vand.u32 $0x7, v3;
	v4 =	vand.u32 $0xFFFFFFF0, v63  }
0x12c: {  	v3 =	vor.u32 v3, v4  }
0x12d: {  	v4 =	vperm.xlane v3, v0;
	_ =	sdelay $0x1  }
0x12e: {  	v3 =	vperm.xlane v3, v2;
	v4 =	vadd.s32 v1, v4;
	_ =	sdelay $0x1  }
0x12f: {  	s15 =	sld [smem:$0x7F9];
	v3 =	vadd.s32 v1, v3  }
0x130: {  	s3 =	sld [smem:$0x7FB]  }
0x131: {  	s14 =	sld [smem:$0x7FA]  }
0x132: {  	[tilespmem:s15], [sflag:$0x4] =	stream.indirect_vreg.gather [hbm4b:s2+s5], $0x80, v4, vm0, $0xb8;
	[tilespmem:$0x10A00] =	vst v63  }
0x133: {  	s15 =	rddreg [dreg:$0xe]  }
0x134: {  	[tilespmem:s14], [sflag:$0x4] =	stream.indirect_vreg.gather [hbm4b:s2+s5], $0x80, v3, vm0, $0xb8;
	[tilespmem:$0x10A00] =	vst v63  }
0x135: {  	s14 =	rddreg [dreg:$0xf]  }
0x136: {  	[tilespmem:s10], [sflag:$0x3] =	stream.indirect.gather [hbm4b:s15+s8], $0x1, s5, s8, $0xb8;
	[tilespmem:$0x10A00] =	vst v63  }
0x137: {  	s15 =	rddreg [dreg:$0x10]  }
0x138: {  	[tilespmem:s11], [sflag:$0x5] =	stream.indirect.gather [hbm4b:s14+s8], $0x1, s5, s8, $0xb8;
	[tilespmem:$0x10A00] =	vst v63  }
0x139: {  	s14 =	sld [smem:$0x7FC]  }
0x13a: {  	[tilespmem:s12], [sflag:$0x6] =	stream.indirect.gather [hbm4b:s15+s8], $0x1, s5, s8, $0xb8;
	[tilespmem:$0x10A00] =	vst v63  }
0x13b: {  	s15 =	sld [smem:$0x7FD]  }
0x13c: {  	[tilespmem:s13], [sflag:$0x2] =	stream.indirect.gather [hbm4b:s1+s8], $0x1, s3, s8, $0xb8;
	[tilespmem:$0x10A00] =	vst v63  }
0x13d: {  	_ = 	snop  }
0x13e: {  	[tilespmem:s15], [sflag:$0x2] =	stream.indirect.gather [hbm4b:s1+s8], $0x1, s14, s8, $0xb8;
	[tilespmem:$0x10A00] =	vst v63  }
0x13f: {  	s14 =	simm.s32 $0x8580;
	s15 =	simm.s32 $0x8180  }
0x140: {  	[tilespmem:s15], [sflag:$0x2] =	stream.indirect.gather [hbm4b:s1+s8], $0x1, s14, s8, $0xb8;
	[tilespmem:$0x10A00] =	vst v63  }
0x141: {  	_ = 	snop  }
0x142: {  	[tilespmem:s17], [sflag:$0x2] =	stream.indirect.gather [hbm4b:s1+s8], $0x1, s16, s8, $0xb8;
	[tilespmem:$0x10A00] =	vst v63  }
0x143: {  	_ = 	snop  }
0x144: {  	[tilespmem:s19], [sflag:$0x2] =	stream.indirect.gather [hbm4b:s1+s8], $0x1, s18, s8, $0xb8;
	[tilespmem:$0x10A00] =	vst v63  }
0x145: {  	_ = 	snop  }
0x146: {  	[tilespmem:s21], [sflag:$0x2] =	stream.indirect.gather [hbm4b:s1+s8], $0x1, s20, s8, $0xb8;
	[tilespmem:$0x10A00] =	vst v63  }
0x147: {  	_ = 	snop  }
0x148: {  	[tilespmem:s23], [sflag:$0x2] =	stream.indirect.gather [hbm4b:s1+s8], $0x1, s22, s8, $0xb8;
	[tilespmem:$0x10A00] =	vst v63  }
0x149: {  	_ = 	snop  }
0x14a: {  	[tilespmem:s25], [sflag:$0x2] =	stream.indirect.gather [hbm4b:s1+s8], $0x1, s24, s8, $0xb8;
	[tilespmem:$0x10A00] =	vst v63  }
0x14b: {  	_ =	swait.ge [sflag:s26], $0x8000  }
0x14c: {  	[sflag:s26] =	ssyncset.done $0x0  }
0x14d: {  	s14 =	rddreg [dreg:$0x12];
	[sflag:s26] =	ssyncadd.s32 $0xFFFF8000  }
0x14e: {  	[hbm4b:s14+s5] =	stream.linear.scatter [tilespmem:s8], [sflag:$0x1], $0x8000, $0x38;
	[tilespmem:$0x10A00] =	vst v63  }
0x14f: {  	_ =	swait.ge [sflag:s28], $0x8000  }
0x150: {  	[sflag:s28] =	ssyncset.done $0x0  }
0x151: {  	s15 =	rddreg [dreg:$0x13];
	[sflag:s28] =	ssyncadd.s32 $0xFFFF8000  }
0x152: {  	[hbm4b:s15+s5] =	stream.linear.scatter [tilespmem:s9], [sflag:$0x4], $0x8000, $0x38;
	[tilespmem:$0x10A00] =	vst v63  }
0x153: {  	_ =	swait.ge [sflag:s29], $0x80  }
0x154: {  	[sflag:s29] =	ssyncset.done $0x0  }
0x155: {  	[sflag:s29] =	ssyncadd.s32 $0xFFFFFF80  }
0x156: {  	_ =	swait.ge [sflag:s29], $0x80  }
0x157: {  	[sflag:s29] =	ssyncset.done $0x0  }
0x158: {  	[sflag:s29] =	ssyncadd.s32 $0xFFFFFF80  }
0x159: {  	_ =	swait.ge [sflag:s29], $0x80  }
0x15a: {  	[sflag:s29] =	ssyncset.done $0x0  }
0x15b: {  	[sflag:s29] =	ssyncadd.s32 $0xFFFFFF80  }
0x15c: {  	_ =	swait.ge [sflag:s29], $0x80  }
0x15d: {  	[sflag:s29] =	ssyncset.done $0x0  }
0x15e: {  	[sflag:s29] =	ssyncadd.s32 $0xFFFFFF80  }
0x15f: {  	_ =	swait.ge [sflag:s29], $0x80  }
0x160: {  	[sflag:s29] =	ssyncset.done $0x0  }
0x161: {  	[sflag:s29] =	ssyncadd.s32 $0xFFFFFF80  }
0x162: {  	_ =	swait.ge [sflag:s29], $0x80  }
0x163: {  	[sflag:s29] =	ssyncset.done $0x0  }
0x164: {  	[sflag:s29] =	ssyncadd.s32 $0xFFFFFF80  }
0x165: {  	_ =	swait.ge [sflag:s29], $0x80  }
0x166: {  	[sflag:s29] =	ssyncset.done $0x0  }
0x167: {  	[sflag:s29] =	ssyncadd.s32 $0xFFFFFF80  }
0x168: {  	_ =	swait.ge [sflag:s29], $0x80  }
0x169: {  	[sflag:s29] =	ssyncset.done $0x0  }
0x16a: {  	s14 =	rddreg [dreg:$0x14];
	[sflag:s29] =	ssyncadd.s32 $0xFFFFFF80  }
0x16b: {  	[hbm4b:s14+s5] =	stream.linear.scatter [tilespmem:s13], [sflag:$0x2], $0x400, $0x38;
	[tilespmem:$0x10A00] =	vst v63  }
0x16c: {  	_ =	swait.ge [sflag:s30], $0x80  }
0x16d: {  	[sflag:s30] =	ssyncset.done $0x0  }
0x16e: {  	s15 =	rddreg [dreg:$0x15];
	[sflag:s30] =	ssyncadd.s32 $0xFFFFFF80  }
0x16f: {  	[hbm4b:s15+s5] =	stream.linear.scatter [tilespmem:s10], [sflag:$0x3], $0x80, $0x38;
	[tilespmem:$0x10A00] =	vst v63  }
0x170: {  	_ =	swait.ge [sflag:s31], $0x80  }
0x171: {  	[sflag:s31] =	ssyncset.done $0x0  }
0x172: {  	s14 =	rddreg [dreg:$0x16];
	[sflag:s31] =	ssyncadd.s32 $0xFFFFFF80  }
0x173: {  	[hbm4b:s14+s5] =	stream.linear.scatter [tilespmem:s11], [sflag:$0x5], $0x80, $0x38;
	[tilespmem:$0x10A00] =	vst v63  }
0x174: {  	_ =	swait.ge [sflag:s4], $0x80  }
0x175: {  	[sflag:s4] =	ssyncset.done $0x0  }
0x176: {  	s15 =	rddreg [dreg:$0x17];
	[sflag:s4] =	ssyncadd.s32 $0xFFFFFF80  }
0x177: {  	[hbm4b:s15+s5] =	stream.linear.scatter [tilespmem:s12], [sflag:$0x6], $0x80, $0x38;
	[tilespmem:$0x10A00] =	vst v63  }
0x178: {  	_ =	swait.ge [sflag:s26], $0x8000  }
0x179: {  	[sflag:s26] =	ssyncset.done $0x0  }
0x17a: {  	[sflag:s26] =	ssyncadd.s32 $0xFFFF8000  }
0x17b: {  	_ =	swait.ge [sflag:s28], $0x8000  }
0x17c: {  	[sflag:s28] =	ssyncset.done $0x0  }
0x17d: {  	[sflag:s28] =	ssyncadd.s32 $0xFFFF8000  }
0x17e: {  	_ =	swait.ge [sflag:s29], $0x400  }
0x17f: {  	[sflag:s29] =	ssyncset.done $0x0  }
0x180: {  	[sflag:s29] =	ssyncadd.s32 $0xFFFFFC00  }
0x181: {  	_ =	swait.ge [sflag:s30], $0x80  }
0x182: {  	[sflag:s30] =	ssyncset.done $0x0  }
0x183: {  	[sflag:s30] =	ssyncadd.s32 $0xFFFFFF80  }
0x184: {  	p0 =	sne.s32 s6, $0x1;
	_ =	swait.ge [sflag:s31], $0x80  }
.Ltmp0:
0x185: {  	[sflag:s31] =	ssyncset.done $0x0;
	(pc) =	sbr.rel @p0 .LBB2_1-.Ltmp0, $4  }
0x186: {  	[sflag:s31] =	ssyncadd.s32 $0xFFFFFF80  }
0x187: {  	_ =	swait.ge [sflag:s4], $0x80  }
0x188: {  	[sflag:s4] =	ssyncset.done $0x0  }
0x189: {  	s6 =	sadd.s32 $0xFFFFFFFF, s6;
	[sflag:s4] =	ssyncadd.s32 $0xFFFFFF80  }
0x18a: {  	_ =	sfence.sel $0x180000  }
0x18b: {  	[bflag:$0x0] =	sbarrier.arrive $0xFFFF  }
0x18c: {  	_ =	strace $0x90000047  }
0x18d: {  	s0 =	stileid.u32;
	[bflag:$0x2] =	sbarrier.arrive $0xFFFF  }
0x18e: {  	p0 =	sne.s32 s0, $0x0;
	s0 =	rddreg [dreg:$0xd]  }
0x18f: {  	s0 =	sadd.s32 @!p0 $0x100000, s0  }
0x190: {  	[sflag:s0] =	ssyncadd.tile.s32 @!p0 $0x1;
	_ =	shalt  }
.Lfunc_end2:
_tile_overlayer_lowered:
.L_overlay_start_2:
0x191: {  	(tag) =	ssettag $0x2  }
0x192: {  	s0 =	rddreg [dreg:$0x0];
	s2 =	stileid.u32  }
0x193: {  	s1 =	rddreg [dreg:$0x1];
	p0 =	sne.s32 s2, $0x0  }
0x194: {  	s3 =	rddreg [dreg:$0x2];
	[bflag:$0x3] =	sbarrier.arrive $0xFFFF;
	s2 =	simm.s32 @!p0 $0x1C07  }
0x195: {  	[timem:s3], [sflag:s2] =	dma.local @!p0 [hbm:s0], s1  }
0x196: {  	s0 =	simm.s32 @!p0 $0x7  }
0x197: {  	_ =	swait.ge @!p0 [sflag:s0], s1  }
0x198: {  	s1 =	ssub.s32 @!p0 $0x0, s1;
	[sflag:s0] =	ssyncset.done @!p0 $0x0  }
0x199: {  	[sflag:s0] =	ssyncadd.s32 @!p0 s1  }
0x19a: {  	[bflag:$0x3] =	sbarrier.arrive $0xFFFF  }
0x19b: {  	_ =	shalt  }

</sc_bundles>
